<compile_context>
chip_gen: v7x
topology: tpu7x:2x2x1
jax: 0.10.2.dev20260603
libtpu: 0.0.44.dev20260713+nightly
codegen_flags: <defaults>
</compile_context>

<pallas_src>
import functools

import jax
import jax.numpy as jnp
from jax.experimental import pallas as pl
from jax.experimental.pallas import tpu as pltpu
from jax.experimental.pallas import tpu_sc as plsc


def _dist_body(z_ref, cb_ref, idx_ref, loss_ref):
    b = pl.program_id(0)
    zb = z_ref[0]
    cb = cb_ref[...]
    N = zb.shape[1]
    NT = N // 2

    cnorm = jnp.sum(cb * cb, axis=1)
    loss_part = jnp.float32(0.0)
    for t in range(2):
        zt = zb[:, t * NT:(t + 1) * NT]
        scores = jax.lax.dot_general(
            cb, zt, (((1,), (0,)), ((), ())),
            preferred_element_type=jnp.float32)
        xnorm = jnp.sum(zt * zt, axis=0)
        d = (cnorm[:, None] + xnorm[None, :]) - 2.0 * scores
        dmin = jnp.min(d, axis=0)
        idx = jnp.argmin(d, axis=0).astype(jnp.int32)
        loss_part = loss_part + jnp.sum(dmin)
        idx_ref[0, 0, pl.ds(t * NT, NT)] = idx

    loss_blk = jnp.reshape(loss_part, (1, 1))

    @pl.when(b == 0)
    def _init():
        loss_ref[...] = loss_blk

    @pl.when(b > 0)
    def _acc():
        loss_ref[...] += loss_blk


def _dist_argmin(z3, codebook):
    B, C, N = z3.shape
    K = codebook.shape[0]
    return pl.pallas_call(
        _dist_body,
        grid=(B,),
        in_specs=[
            pl.BlockSpec((1, C, N), lambda b: (b, 0, 0)),
            pl.BlockSpec((K, C), lambda b: (0, 0)),
        ],
        out_specs=[
            pl.BlockSpec((1, 1, N), lambda b: (b, 0, 0)),
            pl.BlockSpec((1, 1), lambda b: (0, 0)),
        ],
        out_shape=[
            jax.ShapeDtypeStruct((B, 1, N), jnp.int32),
            jax.ShapeDtypeStruct((1, 1), jnp.float32),
        ],
    )(z3, codebook)


_SC_CORES = 2
_SC_SUBCORES = 16
_SC_WORKERS = _SC_CORES * _SC_SUBCORES


def _sc_gather(codebook, idx_flat):
    T = idx_flat.shape[0]
    C = codebook.shape[1]
    per_w = T // _SC_WORKERS
    CH = 128
    n_ch = per_w // CH
    mesh = plsc.VectorSubcoreMesh(core_axis_name="c", subcore_axis_name="s")

    @functools.partial(
        pl.kernel, mesh=mesh,
        out_type=jax.ShapeDtypeStruct((T, C), jnp.float32),
        scratch_types=[
            pltpu.VMEM((per_w,), jnp.int32),
            pltpu.VMEM((2, CH, C), jnp.float32),
            pltpu.SemaphoreType.DMA((2,)),
            pltpu.SemaphoreType.DMA((2,)),
        ],
    )
    def k(table_hbm, idx_hbm, out_hbm, idx_v, rows_v, gsem, osem):
        wid = jax.lax.axis_index("s") * _SC_CORES + jax.lax.axis_index("c")
        base = wid * per_w
        pltpu.sync_copy(idx_hbm.at[pl.ds(base, per_w)], idx_v)

        def gather(ch, buf):
            return pltpu.make_async_copy(
                table_hbm.at[idx_v.at[pl.ds(ch * CH, CH)]],
                rows_v.at[buf], gsem.at[buf])

        def put(ch, buf):
            return pltpu.make_async_copy(
                rows_v.at[buf], out_hbm.at[pl.ds(base + ch * CH, CH)],
                osem.at[buf])

        gather(0, 0).start()
        for ch in range(n_ch):
            cur = ch % 2
            nxt = 1 - cur
            gather(ch, cur).wait()
            if ch + 1 < n_ch:
                if ch >= 1:
                    put(ch - 1, nxt).wait()
                gather(ch + 1, nxt).start()
            put(ch, cur).start()
        for ch in (n_ch - 2, n_ch - 1):
            put(ch, ch % 2).wait()

    return k(codebook, idx_flat)


@jax.jit
def _vq(z, codebook):
    b, c, h, w = z.shape
    z3 = z.reshape(b, c, h * w)
    idx, loss = _dist_argmin(z3, codebook)
    zq_flat = _sc_gather(codebook, idx.reshape(-1))
    z_q_out = zq_flat.reshape(b, h, w, c).transpose(0, 3, 1, 2)
    codebook_loss = loss[0, 0] * 1.25 / (b * c * h * w)
    indices_out = idx.reshape(b, 1, h, w)
    return (z_q_out, codebook_loss, indices_out)


def kernel(z, embedding_weight):
    return _vq(z, embedding_weight)

# --- scband reference (transcript-rebuilt; emitter-appended) ---
"""Pipeline reference for scband-vector-quantizer-weight-codebook-loss-16329465659951 (READ-ONLY COPY).

The authoritative reference and input builder live on the scoring server;
editing this copy changes nothing except your own understanding.
"""

import jax, jax.numpy as jnp
import numpy as np


def setup_inputs(seed: int = 0) -> dict:
    key = jax.random.key(seed)
    k1, k2 = jax.random.split(key)
    z = jax.random.normal(k1, (16, 256, 32, 32), dtype=jnp.float32)
    embedding_weight = jax.random.normal(k2, (1024, 256), dtype=jnp.float32) * 0.02
    return {"z": z, "embedding_weight": embedding_weight}


def reference(z, embedding_weight):
    # Faithful translation of VectorQuantizer_WeightCodebookLoss.forward with
    # gt_indices=None, seg_feat=None, use_weight=False, LQ_stage=False,
    # weight_codebook_type=None (default inference/train path without weights).
    beta = 0.25
    # z: (b, c, h, w) -> (b, h, w, c)
    zp = jnp.transpose(z, (0, 2, 3, 1))
    b, h, w, c = zp.shape
    z_flat = zp.reshape(-1, c)
    codebook = embedding_weight  # (K, c)
    # dist: ||x||^2 + ||y||^2 - 2 x y^T (expanded form, as in the torch code)
    d = (jnp.sum(z_flat ** 2, axis=1, keepdims=True)
         + jnp.sum(codebook ** 2, axis=1)
         - 2.0 * jnp.matmul(z_flat, codebook.T))
    min_encoding_indices = jnp.argmin(d, axis=1)  # (N,)
    # one-hot scatter (min_encodings.scatter_(1, idx, 1))
    min_encodings = jax.nn.one_hot(min_encoding_indices, codebook.shape[0], dtype=z_flat.dtype)
    z_q = jnp.matmul(min_encodings, codebook).reshape(zp.shape)
    e_latent_loss = jnp.mean((jax.lax.stop_gradient(z_q) - zp) ** 2)
    q_latent_loss = jnp.mean((z_q - jax.lax.stop_gradient(zp)) ** 2)
    codebook_loss = q_latent_loss + e_latent_loss * beta
    # straight-through estimator
    z_q_st = zp + jax.lax.stop_gradient(z_q - zp)
    z_q_out = jnp.transpose(z_q_st, (0, 3, 1, 2))
    indices_out = min_encoding_indices.reshape(b, 1, h, w)
    return (z_q_out, codebook_loss, indices_out)

if __name__ == "__main__":
    import jax
    _d = setup_inputs()
    print(jax.jit(kernel)(*tuple(_d.values())))

</pallas_src>

<mosaic_0001>
#map = affine_map<(d0, d1) -> (0, 0)>
#map1 = affine_map<(d0, d1) -> (0)>
module attributes {stable_mosaic.version = 14 : i64} {
  func.func @k(%arg0: i32, %arg1: i32, %arg2: memref<1024x256xf32, #tpu.memory_space<hbm>>, %arg3: memref<16384xi32, #tpu.memory_space<hbm>>, %arg4: memref<16384x256xf32, #tpu.memory_space<hbm>>, %arg5: memref<512xi32, #tpu.memory_space<vmem>>, %arg6: memref<2x128x256xf32, #tpu.memory_space<vmem>>, %arg7: memref<2x!tpu.dma_semaphore, #tpu.memory_space<semaphore_mem>>, %arg8: memref<2x!tpu.dma_semaphore, #tpu.memory_space<semaphore_mem>>) attributes {dimension_semantics = [#tpu.dimension_semantics<core_parallel>, #tpu.dimension_semantics<subcore_parallel>], iteration_bounds = array<i64: 2, 16>, scalar_prefetch = 0 : i64, scratch_operands = 4 : i64, tpu.core_type = #tpu.core_type<sc_vector_subcore>, window_params = [{transform_indices = #map}, {transform_indices = #map1}, {transform_indices = #map}]} {
    %mul3A = arith.constant 2 : i32
    %mul3A_0 = arith.muli %arg1, %mul3A : i32
    %add3A = arith.addi %mul3A_0, %arg0 : i32
    %mul3A_1 = arith.constant 512 : i32
    %mul3A_2 = arith.muli %add3A, %mul3A_1 : i32
    "tpu.region"() ({
      %run_scoped3A = tpu.sem_alloc : memref<!tpu.dma_semaphore, #tpu.memory_space<semaphore_mem>>
      %dma_start3A_249 = tpu.memref_slice %arg3[%mul3A_2] : memref<16384xi32, #tpu.memory_space<hbm>> -> memref<512xi32, #tpu.memory_space<hbm>>
      %dma_start3A_250 = tpu.memref_slice %arg3[%mul3A_2] : memref<16384xi32, #tpu.memory_space<hbm>> -> memref<512xi32, #tpu.memory_space<hbm>>
      tpu.enqueue_dma source(%dma_start3A_250 : memref<512xi32, #tpu.memory_space<hbm>>) target(%arg5 : memref<512xi32, #tpu.memory_space<vmem>>) target_semaphore(%run_scoped3A : memref<!tpu.dma_semaphore, #tpu.memory_space<semaphore_mem>>)
      %dma_wait3A_251 = tpu.memref_slice %arg3[%mul3A_2] : memref<16384xi32, #tpu.memory_space<hbm>> -> memref<512xi32, #tpu.memory_space<hbm>>
      %dma_wait3A_252 = tpu.memref_slice %arg3[%mul3A_2] : memref<16384xi32, #tpu.memory_space<hbm>> -> memref<512xi32, #tpu.memory_space<hbm>>
      tpu.wait_dma2 semaphore(%run_scoped3A : memref<!tpu.dma_semaphore, #tpu.memory_space<semaphore_mem>>) src(%dma_wait3A_252 : memref<512xi32, #tpu.memory_space<hbm>>) dst(%arg5 : memref<512xi32, #tpu.memory_space<vmem>>)
      tpu.yield
    }) : () -> ()
    %dma_start3A = arith.constant 0 : i32
    %dma_start3A_3 = arith.constant 0 : i32
    %dma_start3A_4 = arith.constant 0 : i32
    %dma_start3A_5 = arith.constant 0 : i32
    %dma_start3A_6 = tpu.memref_slice %arg6[%dma_start3A, %dma_start3A_4, %dma_start3A_5] : memref<2x128x256xf32, #tpu.memory_space<vmem>> -> memref<1x128x256xf32, #tpu.memory_space<vmem>>
    %dma_start3A_7 = tpu.memref_squeeze %dma_start3A_6 : memref<1x128x256xf32, #tpu.memory_space<vmem>> -> memref<128x256xf32, #tpu.memory_space<vmem>>
    %dma_start3A_8 = arith.constant 0 : i32
    %dma_start3A_9 = tpu.memref_slice %arg5[%dma_start3A_8] : memref<512xi32, #tpu.memory_space<vmem>> -> memref<128xi32, #tpu.memory_space<vmem>>
    %dma_start3A_10 = arith.constant 0 : i32
    %dma_start3A_11 = arith.constant 0 : i32
    %dma_start3A_12 = tpu.memref_slice %arg2[%dma_start3A_10, %dma_start3A_11] : memref<1024x256xf32, #tpu.memory_space<hbm>> -> memref<1024x256xf32, #tpu.memory_space<hbm>>
    %dma_start3A_13 = tpu.memref_slice %arg7[%dma_start3A_3] : memref<2x!tpu.dma_semaphore, #tpu.memory_space<semaphore_mem>> -> memref<1x!tpu.dma_semaphore, #tpu.memory_space<semaphore_mem>>
    %dma_start3A_14 = tpu.memref_squeeze %dma_start3A_13 : memref<1x!tpu.dma_semaphore, #tpu.memory_space<semaphore_mem>> -> memref<!tpu.dma_semaphore, #tpu.memory_space<semaphore_mem>>
    tpu.enqueue_indirect_dma source(%dma_start3A_12 : memref<1024x256xf32, #tpu.memory_space<hbm>>) target(%dma_start3A_7 : memref<128x256xf32, #tpu.memory_space<vmem>>) offsets(%dma_start3A_9 : memref<128xi32, #tpu.memory_space<vmem>>) semaphore(%dma_start3A_14 : memref<!tpu.dma_semaphore, #tpu.memory_space<semaphore_mem>>)
    %dma_wait3A = arith.constant 0 : i32
    %dma_wait3A_15 = arith.constant 0 : i32
    %dma_wait3A_16 = arith.constant 0 : i32
    %dma_wait3A_17 = arith.constant 0 : i32
    %dma_wait3A_18 = tpu.memref_slice %arg6[%dma_wait3A, %dma_wait3A_16, %dma_wait3A_17] : memref<2x128x256xf32, #tpu.memory_space<vmem>> -> memref<1x128x256xf32, #tpu.memory_space<vmem>>
    %dma_wait3A_19 = tpu.memref_squeeze %dma_wait3A_18 : memref<1x128x256xf32, #tpu.memory_space<vmem>> -> memref<128x256xf32, #tpu.memory_space<vmem>>
    %dma_wait3A_20 = arith.constant 0 : i32
    %dma_wait3A_21 = tpu.memref_slice %arg5[%dma_wait3A_20] : memref<512xi32, #tpu.memory_space<vmem>> -> memref<128xi32, #tpu.memory_space<vmem>>
    %dma_wait3A_22 = arith.constant 0 : i32
    %dma_wait3A_23 = arith.constant 0 : i32
    %dma_wait3A_24 = tpu.memref_slice %arg2[%dma_wait3A_22, %dma_wait3A_23] : memref<1024x256xf32, #tpu.memory_space<hbm>> -> memref<1024x256xf32, #tpu.memory_space<hbm>>
    %dma_wait3A_25 = tpu.memref_slice %arg7[%dma_wait3A_15] : memref<2x!tpu.dma_semaphore, #tpu.memory_space<semaphore_mem>> -> memref<1x!tpu.dma_semaphore, #tpu.memory_space<semaphore_mem>>
    %dma_wait3A_26 = tpu.memref_squeeze %dma_wait3A_25 : memref<1x!tpu.dma_semaphore, #tpu.memory_space<semaphore_mem>> -> memref<!tpu.dma_semaphore, #tpu.memory_space<semaphore_mem>>
    tpu.wait_indirect_dma semaphore(%dma_wait3A_26 : memref<!tpu.dma_semaphore, #tpu.memory_space<semaphore_mem>>) src(%dma_wait3A_24 : memref<1024x256xf32, #tpu.memory_space<hbm>>) dst(%dma_wait3A_19 : memref<128x256xf32, #tpu.memory_space<vmem>>)
    %dma_start3A_27 = arith.constant 1 : i32
    %dma_start3A_28 = arith.constant 1 : i32
    %dma_start3A_29 = arith.constant 0 : i32
    %dma_start3A_30 = arith.constant 0 : i32
    %dma_start3A_31 = tpu.memref_slice %arg6[%dma_start3A_27, %dma_start3A_29, %dma_start3A_30] : memref<2x128x256xf32, #tpu.memory_space<vmem>> -> memref<1x128x256xf32, #tpu.memory_space<vmem>>
    %dma_start3A_32 = tpu.memref_squeeze %dma_start3A_31 : memref<1x128x256xf32, #tpu.memory_space<vmem>> -> memref<128x256xf32, #tpu.memory_space<vmem>>
    %dma_start3A_33 = arith.constant 128 : i32
    %dma_start3A_34 = tpu.memref_slice %arg5[%dma_start3A_33] : memref<512xi32, #tpu.memory_space<vmem>> -> memref<128xi32, #tpu.memory_space<vmem>>
    %dma_start3A_35 = arith.constant 0 : i32
    %dma_start3A_36 = arith.constant 0 : i32
    %dma_start3A_37 = tpu.memref_slice %arg2[%dma_start3A_35, %dma_start3A_36] : memref<1024x256xf32, #tpu.memory_space<hbm>> -> memref<1024x256xf32, #tpu.memory_space<hbm>>
    %dma_start3A_38 = tpu.memref_slice %arg7[%dma_start3A_28] : memref<2x!tpu.dma_semaphore, #tpu.memory_space<semaphore_mem>> -> memref<1x!tpu.dma_semaphore, #tpu.memory_space<semaphore_mem>>
    %dma_start3A_39 = tpu.memref_squeeze %dma_start3A_38 : memref<1x!tpu.dma_semaphore, #tpu.memory_space<semaphore_mem>> -> memref<!tpu.dma_semaphore, #tpu.memory_space<semaphore_mem>>
    tpu.enqueue_indirect_dma source(%dma_start3A_37 : memref<1024x256xf32, #tpu.memory_space<hbm>>) target(%dma_start3A_32 : memref<128x256xf32, #tpu.memory_space<vmem>>) offsets(%dma_start3A_34 : memref<128xi32, #tpu.memory_space<vmem>>) semaphore(%dma_start3A_39 : memref<!tpu.dma_semaphore, #tpu.memory_space<semaphore_mem>>)
    %add3A_40 = arith.constant 0 : i32
    %add3A_41 = arith.addi %mul3A_2, %add3A_40 : i32
    %dma_start3A_42 = arith.constant 0 : i32
    %dma_start3A_43 = arith.constant 0 : i32
    %dma_start3A_44 = arith.constant 0 : i32
    %dma_start3A_45 = arith.constant 0 : i32
    %dma_start3A_46 = tpu.memref_slice %arg6[%dma_start3A_42, %dma_start3A_44, %dma_start3A_45] : memref<2x128x256xf32, #tpu.memory_space<vmem>> -> memref<1x128x256xf32, #tpu.memory_space<vmem>>
    %dma_start3A_47 = tpu.memref_squeeze %dma_start3A_46 : memref<1x128x256xf32, #tpu.memory_space<vmem>> -> memref<128x256xf32, #tpu.memory_space<vmem>>
    %dma_start3A_48 = arith.constant 0 : i32
    %dma_start3A_49 = tpu.memref_slice %arg4[%add3A_41, %dma_start3A_48] : memref<16384x256xf32, #tpu.memory_space<hbm>> -> memref<128x256xf32, #tpu.memory_space<hbm>>
    %dma_start3A_50 = tpu.memref_slice %arg8[%dma_start3A_43] : memref<2x!tpu.dma_semaphore, #tpu.memory_space<semaphore_mem>> -> memref<1x!tpu.dma_semaphore, #tpu.memory_space<semaphore_mem>>
    %dma_start3A_51 = tpu.memref_squeeze %dma_start3A_50 : memref<1x!tpu.dma_semaphore, #tpu.memory_space<semaphore_mem>> -> memref<!tpu.dma_semaphore, #tpu.memory_space<semaphore_mem>>
    %dma_start3A_52 = arith.constant 0 : i32
    %dma_start3A_53 = tpu.memref_slice %arg4[%add3A_41, %dma_start3A_52] : memref<16384x256xf32, #tpu.memory_space<hbm>> -> memref<128x256xf32, #tpu.memory_space<hbm>>
    %dma_start3A_54 = arith.constant 0 : i32
    %dma_start3A_55 = arith.constant 0 : i32
    %dma_start3A_56 = tpu.memref_slice %arg6[%dma_start3A_42, %dma_start3A_54, %dma_start3A_55] : memref<2x128x256xf32, #tpu.memory_space<vmem>> -> memref<1x128x256xf32, #tpu.memory_space<vmem>>
    %dma_start3A_57 = tpu.memref_squeeze %dma_start3A_56 : memref<1x128x256xf32, #tpu.memory_space<vmem>> -> memref<128x256xf32, #tpu.memory_space<vmem>>
    tpu.enqueue_dma source(%dma_start3A_57 : memref<128x256xf32, #tpu.memory_space<vmem>>) target(%dma_start3A_53 : memref<128x256xf32, #tpu.memory_space<hbm>>) target_semaphore(%dma_start3A_51 : memref<!tpu.dma_semaphore, #tpu.memory_space<semaphore_mem>>)
    %dma_wait3A_58 = arith.constant 1 : i32
    %dma_wait3A_59 = arith.constant 1 : i32
    %dma_wait3A_60 = arith.constant 0 : i32
    %dma_wait3A_61 = arith.constant 0 : i32
    %dma_wait3A_62 = tpu.memref_slice %arg6[%dma_wait3A_58, %dma_wait3A_60, %dma_wait3A_61] : memref<2x128x256xf32, #tpu.memory_space<vmem>> -> memref<1x128x256xf32, #tpu.memory_space<vmem>>
    %dma_wait3A_63 = tpu.memref_squeeze %dma_wait3A_62 : memref<1x128x256xf32, #tpu.memory_space<vmem>> -> memref<128x256xf32, #tpu.memory_space<vmem>>
    %dma_wait3A_64 = arith.constant 128 : i32
    %dma_wait3A_65 = tpu.memref_slice %arg5[%dma_wait3A_64] : memref<512xi32, #tpu.memory_space<vmem>> -> memref<128xi32, #tpu.memory_space<vmem>>
    %dma_wait3A_66 = arith.constant 0 : i32
    %dma_wait3A_67 = arith.constant 0 : i32
    %dma_wait3A_68 = tpu.memref_slice %arg2[%dma_wait3A_66, %dma_wait3A_67] : memref<1024x256xf32, #tpu.memory_space<hbm>> -> memref<1024x256xf32, #tpu.memory_space<hbm>>
    %dma_wait3A_69 = tpu.memref_slice %arg7[%dma_wait3A_59] : memref<2x!tpu.dma_semaphore, #tpu.memory_space<semaphore_mem>> -> memref<1x!tpu.dma_semaphore, #tpu.memory_space<semaphore_mem>>
    %dma_wait3A_70 = tpu.memref_squeeze %dma_wait3A_69 : memref<1x!tpu.dma_semaphore, #tpu.memory_space<semaphore_mem>> -> memref<!tpu.dma_semaphore, #tpu.memory_space<semaphore_mem>>
    tpu.wait_indirect_dma semaphore(%dma_wait3A_70 : memref<!tpu.dma_semaphore, #tpu.memory_space<semaphore_mem>>) src(%dma_wait3A_68 : memref<1024x256xf32, #tpu.memory_space<hbm>>) dst(%dma_wait3A_63 : memref<128x256xf32, #tpu.memory_space<vmem>>)
    %add3A_71 = arith.constant 0 : i32
    %add3A_72 = arith.addi %mul3A_2, %add3A_71 : i32
    %dma_wait3A_73 = arith.constant 0 : i32
    %dma_wait3A_74 = arith.constant 0 : i32
    %dma_wait3A_75 = arith.constant 0 : i32
    %dma_wait3A_76 = arith.constant 0 : i32
    %dma_wait3A_77 = tpu.memref_slice %arg6[%dma_wait3A_73, %dma_wait3A_75, %dma_wait3A_76] : memref<2x128x256xf32, #tpu.memory_space<vmem>> -> memref<1x128x256xf32, #tpu.memory_space<vmem>>
    %dma_wait3A_78 = tpu.memref_squeeze %dma_wait3A_77 : memref<1x128x256xf32, #tpu.memory_space<vmem>> -> memref<128x256xf32, #tpu.memory_space<vmem>>
    %dma_wait3A_79 = arith.constant 0 : i32
    %dma_wait3A_80 = tpu.memref_slice %arg4[%add3A_72, %dma_wait3A_79] : memref<16384x256xf32, #tpu.memory_space<hbm>> -> memref<128x256xf32, #tpu.memory_space<hbm>>
    %dma_wait3A_81 = tpu.memref_slice %arg8[%dma_wait3A_74] : memref<2x!tpu.dma_semaphore, #tpu.memory_space<semaphore_mem>> -> memref<1x!tpu.dma_semaphore, #tpu.memory_space<semaphore_mem>>
    %dma_wait3A_82 = tpu.memref_squeeze %dma_wait3A_81 : memref<1x!tpu.dma_semaphore, #tpu.memory_space<semaphore_mem>> -> memref<!tpu.dma_semaphore, #tpu.memory_space<semaphore_mem>>
    %dma_wait3A_83 = arith.constant 0 : i32
    %dma_wait3A_84 = tpu.memref_slice %arg4[%add3A_72, %dma_wait3A_83] : memref<16384x256xf32, #tpu.memory_space<hbm>> -> memref<128x256xf32, #tpu.memory_space<hbm>>
    %dma_wait3A_85 = arith.constant 0 : i32
    %dma_wait3A_86 = arith.constant 0 : i32
    %dma_wait3A_87 = tpu.memref_slice %arg6[%dma_wait3A_73, %dma_wait3A_85, %dma_wait3A_86] : memref<2x128x256xf32, #tpu.memory_space<vmem>> -> memref<1x128x256xf32, #tpu.memory_space<vmem>>
    %dma_wait3A_88 = tpu.memref_squeeze %dma_wait3A_87 : memref<1x128x256xf32, #tpu.memory_space<vmem>> -> memref<128x256xf32, #tpu.memory_space<vmem>>
    tpu.wait_dma2 semaphore(%dma_wait3A_82 : memref<!tpu.dma_semaphore, #tpu.memory_space<semaphore_mem>>) src(%dma_wait3A_88 : memref<128x256xf32, #tpu.memory_space<vmem>>) dst(%dma_wait3A_84 : memref<128x256xf32, #tpu.memory_space<hbm>>)
    %dma_start3A_89 = arith.constant 0 : i32
    %dma_start3A_90 = arith.constant 0 : i32
    %dma_start3A_91 = arith.constant 0 : i32
    %dma_start3A_92 = arith.constant 0 : i32
    %dma_start3A_93 = tpu.memref_slice %arg6[%dma_start3A_89, %dma_start3A_91, %dma_start3A_92] : memref<2x128x256xf32, #tpu.memory_space<vmem>> -> memref<1x128x256xf32, #tpu.memory_space<vmem>>
    %dma_start3A_94 = tpu.memref_squeeze %dma_start3A_93 : memref<1x128x256xf32, #tpu.memory_space<vmem>> -> memref<128x256xf32, #tpu.memory_space<vmem>>
    %dma_start3A_95 = arith.constant 256 : i32
    %dma_start3A_96 = tpu.memref_slice %arg5[%dma_start3A_95] : memref<512xi32, #tpu.memory_space<vmem>> -> memref<128xi32, #tpu.memory_space<vmem>>
    %dma_start3A_97 = arith.constant 0 : i32
    %dma_start3A_98 = arith.constant 0 : i32
    %dma_start3A_99 = tpu.memref_slice %arg2[%dma_start3A_97, %dma_start3A_98] : memref<1024x256xf32, #tpu.memory_space<hbm>> -> memref<1024x256xf32, #tpu.memory_space<hbm>>
    %dma_start3A_100 = tpu.memref_slice %arg7[%dma_start3A_90] : memref<2x!tpu.dma_semaphore, #tpu.memory_space<semaphore_mem>> -> memref<1x!tpu.dma_semaphore, #tpu.memory_space<semaphore_mem>>
    %dma_start3A_101 = tpu.memref_squeeze %dma_start3A_100 : memref<1x!tpu.dma_semaphore, #tpu.memory_space<semaphore_mem>> -> memref<!tpu.dma_semaphore, #tpu.memory_space<semaphore_mem>>
    tpu.enqueue_indirect_dma source(%dma_start3A_99 : memref<1024x256xf32, #tpu.memory_space<hbm>>) target(%dma_start3A_94 : memref<128x256xf32, #tpu.memory_space<vmem>>) offsets(%dma_start3A_96 : memref<128xi32, #tpu.memory_space<vmem>>) semaphore(%dma_start3A_101 : memref<!tpu.dma_semaphore, #tpu.memory_space<semaphore_mem>>)
    %add3A_102 = arith.constant 128 : i32
    %add3A_103 = arith.addi %mul3A_2, %add3A_102 : i32
    %dma_start3A_104 = arith.constant 1 : i32
    %dma_start3A_105 = arith.constant 1 : i32
    %dma_start3A_106 = arith.constant 0 : i32
    %dma_start3A_107 = arith.constant 0 : i32
    %dma_start3A_108 = tpu.memref_slice %arg6[%dma_start3A_104, %dma_start3A_106, %dma_start3A_107] : memref<2x128x256xf32, #tpu.memory_space<vmem>> -> memref<1x128x256xf32, #tpu.memory_space<vmem>>
    %dma_start3A_109 = tpu.memref_squeeze %dma_start3A_108 : memref<1x128x256xf32, #tpu.memory_space<vmem>> -> memref<128x256xf32, #tpu.memory_space<vmem>>
    %dma_start3A_110 = arith.constant 0 : i32
    %dma_start3A_111 = tpu.memref_slice %arg4[%add3A_103, %dma_start3A_110] : memref<16384x256xf32, #tpu.memory_space<hbm>> -> memref<128x256xf32, #tpu.memory_space<hbm>>
    %dma_start3A_112 = tpu.memref_slice %arg8[%dma_start3A_105] : memref<2x!tpu.dma_semaphore, #tpu.memory_space<semaphore_mem>> -> memref<1x!tpu.dma_semaphore, #tpu.memory_space<semaphore_mem>>
    %dma_start3A_113 = tpu.memref_squeeze %dma_start3A_112 : memref<1x!tpu.dma_semaphore, #tpu.memory_space<semaphore_mem>> -> memref<!tpu.dma_semaphore, #tpu.memory_space<semaphore_mem>>
    %dma_start3A_114 = arith.constant 0 : i32
    %dma_start3A_115 = tpu.memref_slice %arg4[%add3A_103, %dma_start3A_114] : memref<16384x256xf32, #tpu.memory_space<hbm>> -> memref<128x256xf32, #tpu.memory_space<hbm>>
    %dma_start3A_116 = arith.constant 0 : i32
    %dma_start3A_117 = arith.constant 0 : i32
    %dma_start3A_118 = tpu.memref_slice %arg6[%dma_start3A_104, %dma_start3A_116, %dma_start3A_117] : memref<2x128x256xf32, #tpu.memory_space<vmem>> -> memref<1x128x256xf32, #tpu.memory_space<vmem>>
    %dma_start3A_119 = tpu.memref_squeeze %dma_start3A_118 : memref<1x128x256xf32, #tpu.memory_space<vmem>> -> memref<128x256xf32, #tpu.memory_space<vmem>>
    tpu.enqueue_dma source(%dma_start3A_119 : memref<128x256xf32, #tpu.memory_space<vmem>>) target(%dma_start3A_115 : memref<128x256xf32, #tpu.memory_space<hbm>>) target_semaphore(%dma_start3A_113 : memref<!tpu.dma_semaphore, #tpu.memory_space<semaphore_mem>>)
    %dma_wait3A_120 = arith.constant 0 : i32
    %dma_wait3A_121 = arith.constant 0 : i32
    %dma_wait3A_122 = arith.constant 0 : i32
    %dma_wait3A_123 = arith.constant 0 : i32
    %dma_wait3A_124 = tpu.memref_slice %arg6[%dma_wait3A_120, %dma_wait3A_122, %dma_wait3A_123] : memref<2x128x256xf32, #tpu.memory_space<vmem>> -> memref<1x128x256xf32, #tpu.memory_space<vmem>>
    %dma_wait3A_125 = tpu.memref_squeeze %dma_wait3A_124 : memref<1x128x256xf32, #tpu.memory_space<vmem>> -> memref<128x256xf32, #tpu.memory_space<vmem>>
    %dma_wait3A_126 = arith.constant 256 : i32
    %dma_wait3A_127 = tpu.memref_slice %arg5[%dma_wait3A_126] : memref<512xi32, #tpu.memory_space<vmem>> -> memref<128xi32, #tpu.memory_space<vmem>>
    %dma_wait3A_128 = arith.constant 0 : i32
    %dma_wait3A_129 = arith.constant 0 : i32
    %dma_wait3A_130 = tpu.memref_slice %arg2[%dma_wait3A_128, %dma_wait3A_129] : memref<1024x256xf32, #tpu.memory_space<hbm>> -> memref<1024x256xf32, #tpu.memory_space<hbm>>
    %dma_wait3A_131 = tpu.memref_slice %arg7[%dma_wait3A_121] : memref<2x!tpu.dma_semaphore, #tpu.memory_space<semaphore_mem>> -> memref<1x!tpu.dma_semaphore, #tpu.memory_space<semaphore_mem>>
    %dma_wait3A_132 = tpu.memref_squeeze %dma_wait3A_131 : memref<1x!tpu.dma_semaphore, #tpu.memory_space<semaphore_mem>> -> memref<!tpu.dma_semaphore, #tpu.memory_space<semaphore_mem>>
    tpu.wait_indirect_dma semaphore(%dma_wait3A_132 : memref<!tpu.dma_semaphore, #tpu.memory_space<semaphore_mem>>) src(%dma_wait3A_130 : memref<1024x256xf32, #tpu.memory_space<hbm>>) dst(%dma_wait3A_125 : memref<128x256xf32, #tpu.memory_space<vmem>>)
    %add3A_133 = arith.constant 128 : i32
    %add3A_134 = arith.addi %mul3A_2, %add3A_133 : i32
    %dma_wait3A_135 = arith.constant 1 : i32
    %dma_wait3A_136 = arith.constant 1 : i32
    %dma_wait3A_137 = arith.constant 0 : i32
    %dma_wait3A_138 = arith.constant 0 : i32
    %dma_wait3A_139 = tpu.memref_slice %arg6[%dma_wait3A_135, %dma_wait3A_137, %dma_wait3A_138] : memref<2x128x256xf32, #tpu.memory_space<vmem>> -> memref<1x128x256xf32, #tpu.memory_space<vmem>>
    %dma_wait3A_140 = tpu.memref_squeeze %dma_wait3A_139 : memref<1x128x256xf32, #tpu.memory_space<vmem>> -> memref<128x256xf32, #tpu.memory_space<vmem>>
    %dma_wait3A_141 = arith.constant 0 : i32
    %dma_wait3A_142 = tpu.memref_slice %arg4[%add3A_134, %dma_wait3A_141] : memref<16384x256xf32, #tpu.memory_space<hbm>> -> memref<128x256xf32, #tpu.memory_space<hbm>>
    %dma_wait3A_143 = tpu.memref_slice %arg8[%dma_wait3A_136] : memref<2x!tpu.dma_semaphore, #tpu.memory_space<semaphore_mem>> -> memref<1x!tpu.dma_semaphore, #tpu.memory_space<semaphore_mem>>
    %dma_wait3A_144 = tpu.memref_squeeze %dma_wait3A_143 : memref<1x!tpu.dma_semaphore, #tpu.memory_space<semaphore_mem>> -> memref<!tpu.dma_semaphore, #tpu.memory_space<semaphore_mem>>
    %dma_wait3A_145 = arith.constant 0 : i32
    %dma_wait3A_146 = tpu.memref_slice %arg4[%add3A_134, %dma_wait3A_145] : memref<16384x256xf32, #tpu.memory_space<hbm>> -> memref<128x256xf32, #tpu.memory_space<hbm>>
    %dma_wait3A_147 = arith.constant 0 : i32
    %dma_wait3A_148 = arith.constant 0 : i32
    %dma_wait3A_149 = tpu.memref_slice %arg6[%dma_wait3A_135, %dma_wait3A_147, %dma_wait3A_148] : memref<2x128x256xf32, #tpu.memory_space<vmem>> -> memref<1x128x256xf32, #tpu.memory_space<vmem>>
    %dma_wait3A_150 = tpu.memref_squeeze %dma_wait3A_149 : memref<1x128x256xf32, #tpu.memory_space<vmem>> -> memref<128x256xf32, #tpu.memory_space<vmem>>
    tpu.wait_dma2 semaphore(%dma_wait3A_144 : memref<!tpu.dma_semaphore, #tpu.memory_space<semaphore_mem>>) src(%dma_wait3A_150 : memref<128x256xf32, #tpu.memory_space<vmem>>) dst(%dma_wait3A_146 : memref<128x256xf32, #tpu.memory_space<hbm>>)
    %dma_start3A_151 = arith.constant 1 : i32
    %dma_start3A_152 = arith.constant 1 : i32
    %dma_start3A_153 = arith.constant 0 : i32
    %dma_start3A_154 = arith.constant 0 : i32
    %dma_start3A_155 = tpu.memref_slice %arg6[%dma_start3A_151, %dma_start3A_153, %dma_start3A_154] : memref<2x128x256xf32, #tpu.memory_space<vmem>> -> memref<1x128x256xf32, #tpu.memory_space<vmem>>
    %dma_start3A_156 = tpu.memref_squeeze %dma_start3A_155 : memref<1x128x256xf32, #tpu.memory_space<vmem>> -> memref<128x256xf32, #tpu.memory_space<vmem>>
    %dma_start3A_157 = arith.constant 384 : i32
    %dma_start3A_158 = tpu.memref_slice %arg5[%dma_start3A_157] : memref<512xi32, #tpu.memory_space<vmem>> -> memref<128xi32, #tpu.memory_space<vmem>>
    %dma_start3A_159 = arith.constant 0 : i32
    %dma_start3A_160 = arith.constant 0 : i32
    %dma_start3A_161 = tpu.memref_slice %arg2[%dma_start3A_159, %dma_start3A_160] : memref<1024x256xf32, #tpu.memory_space<hbm>> -> memref<1024x256xf32, #tpu.memory_space<hbm>>
    %dma_start3A_162 = tpu.memref_slice %arg7[%dma_start3A_152] : memref<2x!tpu.dma_semaphore, #tpu.memory_space<semaphore_mem>> -> memref<1x!tpu.dma_semaphore, #tpu.memory_space<semaphore_mem>>
    %dma_start3A_163 = tpu.memref_squeeze %dma_start3A_162 : memref<1x!tpu.dma_semaphore, #tpu.memory_space<semaphore_mem>> -> memref<!tpu.dma_semaphore, #tpu.memory_space<semaphore_mem>>
    tpu.enqueue_indirect_dma source(%dma_start3A_161 : memref<1024x256xf32, #tpu.memory_space<hbm>>) target(%dma_start3A_156 : memref<128x256xf32, #tpu.memory_space<vmem>>) offsets(%dma_start3A_158 : memref<128xi32, #tpu.memory_space<vmem>>) semaphore(%dma_start3A_163 : memref<!tpu.dma_semaphore, #tpu.memory_space<semaphore_mem>>)
    %add3A_164 = arith.constant 256 : i32
    %add3A_165 = arith.addi %mul3A_2, %add3A_164 : i32
    %dma_start3A_166 = arith.constant 0 : i32
    %dma_start3A_167 = arith.constant 0 : i32
    %dma_start3A_168 = arith.constant 0 : i32
    %dma_start3A_169 = arith.constant 0 : i32
    %dma_start3A_170 = tpu.memref_slice %arg6[%dma_start3A_166, %dma_start3A_168, %dma_start3A_169] : memref<2x128x256xf32, #tpu.memory_space<vmem>> -> memref<1x128x256xf32, #tpu.memory_space<vmem>>
    %dma_start3A_171 = tpu.memref_squeeze %dma_start3A_170 : memref<1x128x256xf32, #tpu.memory_space<vmem>> -> memref<128x256xf32, #tpu.memory_space<vmem>>
    %dma_start3A_172 = arith.constant 0 : i32
    %dma_start3A_173 = tpu.memref_slice %arg4[%add3A_165, %dma_start3A_172] : memref<16384x256xf32, #tpu.memory_space<hbm>> -> memref<128x256xf32, #tpu.memory_space<hbm>>
    %dma_start3A_174 = tpu.memref_slice %arg8[%dma_start3A_167] : memref<2x!tpu.dma_semaphore, #tpu.memory_space<semaphore_mem>> -> memref<1x!tpu.dma_semaphore, #tpu.memory_space<semaphore_mem>>
    %dma_start3A_175 = tpu.memref_squeeze %dma_start3A_174 : memref<1x!tpu.dma_semaphore, #tpu.memory_space<semaphore_mem>> -> memref<!tpu.dma_semaphore, #tpu.memory_space<semaphore_mem>>
    %dma_start3A_176 = arith.constant 0 : i32
    %dma_start3A_177 = tpu.memref_slice %arg4[%add3A_165, %dma_start3A_176] : memref<16384x256xf32, #tpu.memory_space<hbm>> -> memref<128x256xf32, #tpu.memory_space<hbm>>
    %dma_start3A_178 = arith.constant 0 : i32
    %dma_start3A_179 = arith.constant 0 : i32
    %dma_start3A_180 = tpu.memref_slice %arg6[%dma_start3A_166, %dma_start3A_178, %dma_start3A_179] : memref<2x128x256xf32, #tpu.memory_space<vmem>> -> memref<1x128x256xf32, #tpu.memory_space<vmem>>
    %dma_start3A_181 = tpu.memref_squeeze %dma_start3A_180 : memref<1x128x256xf32, #tpu.memory_space<vmem>> -> memref<128x256xf32, #tpu.memory_space<vmem>>
    tpu.enqueue_dma source(%dma_start3A_181 : memref<128x256xf32, #tpu.memory_space<vmem>>) target(%dma_start3A_177 : memref<128x256xf32, #tpu.memory_space<hbm>>) target_semaphore(%dma_start3A_175 : memref<!tpu.dma_semaphore, #tpu.memory_space<semaphore_mem>>)
    %dma_wait3A_182 = arith.constant 1 : i32
    %dma_wait3A_183 = arith.constant 1 : i32
    %dma_wait3A_184 = arith.constant 0 : i32
    %dma_wait3A_185 = arith.constant 0 : i32
    %dma_wait3A_186 = tpu.memref_slice %arg6[%dma_wait3A_182, %dma_wait3A_184, %dma_wait3A_185] : memref<2x128x256xf32, #tpu.memory_space<vmem>> -> memref<1x128x256xf32, #tpu.memory_space<vmem>>
    %dma_wait3A_187 = tpu.memref_squeeze %dma_wait3A_186 : memref<1x128x256xf32, #tpu.memory_space<vmem>> -> memref<128x256xf32, #tpu.memory_space<vmem>>
    %dma_wait3A_188 = arith.constant 384 : i32
    %dma_wait3A_189 = tpu.memref_slice %arg5[%dma_wait3A_188] : memref<512xi32, #tpu.memory_space<vmem>> -> memref<128xi32, #tpu.memory_space<vmem>>
    %dma_wait3A_190 = arith.constant 0 : i32
    %dma_wait3A_191 = arith.constant 0 : i32
    %dma_wait3A_192 = tpu.memref_slice %arg2[%dma_wait3A_190, %dma_wait3A_191] : memref<1024x256xf32, #tpu.memory_space<hbm>> -> memref<1024x256xf32, #tpu.memory_space<hbm>>
    %dma_wait3A_193 = tpu.memref_slice %arg7[%dma_wait3A_183] : memref<2x!tpu.dma_semaphore, #tpu.memory_space<semaphore_mem>> -> memref<1x!tpu.dma_semaphore, #tpu.memory_space<semaphore_mem>>
    %dma_wait3A_194 = tpu.memref_squeeze %dma_wait3A_193 : memref<1x!tpu.dma_semaphore, #tpu.memory_space<semaphore_mem>> -> memref<!tpu.dma_semaphore, #tpu.memory_space<semaphore_mem>>
    tpu.wait_indirect_dma semaphore(%dma_wait3A_194 : memref<!tpu.dma_semaphore, #tpu.memory_space<semaphore_mem>>) src(%dma_wait3A_192 : memref<1024x256xf32, #tpu.memory_space<hbm>>) dst(%dma_wait3A_187 : memref<128x256xf32, #tpu.memory_space<vmem>>)
    %add3A_195 = arith.constant 384 : i32
    %add3A_196 = arith.addi %mul3A_2, %add3A_195 : i32
    %dma_start3A_197 = arith.constant 1 : i32
    %dma_start3A_198 = arith.constant 1 : i32
    %dma_start3A_199 = arith.constant 0 : i32
    %dma_start3A_200 = arith.constant 0 : i32
    %dma_start3A_201 = tpu.memref_slice %arg6[%dma_start3A_197, %dma_start3A_199, %dma_start3A_200] : memref<2x128x256xf32, #tpu.memory_space<vmem>> -> memref<1x128x256xf32, #tpu.memory_space<vmem>>
    %dma_start3A_202 = tpu.memref_squeeze %dma_start3A_201 : memref<1x128x256xf32, #tpu.memory_space<vmem>> -> memref<128x256xf32, #tpu.memory_space<vmem>>
    %dma_start3A_203 = arith.constant 0 : i32
    %dma_start3A_204 = tpu.memref_slice %arg4[%add3A_196, %dma_start3A_203] : memref<16384x256xf32, #tpu.memory_space<hbm>> -> memref<128x256xf32, #tpu.memory_space<hbm>>
    %dma_start3A_205 = tpu.memref_slice %arg8[%dma_start3A_198] : memref<2x!tpu.dma_semaphore, #tpu.memory_space<semaphore_mem>> -> memref<1x!tpu.dma_semaphore, #tpu.memory_space<semaphore_mem>>
    %dma_start3A_206 = tpu.memref_squeeze %dma_start3A_205 : memref<1x!tpu.dma_semaphore, #tpu.memory_space<semaphore_mem>> -> memref<!tpu.dma_semaphore, #tpu.memory_space<semaphore_mem>>
    %dma_start3A_207 = arith.constant 0 : i32
    %dma_start3A_208 = tpu.memref_slice %arg4[%add3A_196, %dma_start3A_207] : memref<16384x256xf32, #tpu.memory_space<hbm>> -> memref<128x256xf32, #tpu.memory_space<hbm>>
    %dma_start3A_209 = arith.constant 0 : i32
    %dma_start3A_210 = arith.constant 0 : i32
    %dma_start3A_211 = tpu.memref_slice %arg6[%dma_start3A_197, %dma_start3A_209, %dma_start3A_210] : memref<2x128x256xf32, #tpu.memory_space<vmem>> -> memref<1x128x256xf32, #tpu.memory_space<vmem>>
    %dma_start3A_212 = tpu.memref_squeeze %dma_start3A_211 : memref<1x128x256xf32, #tpu.memory_space<vmem>> -> memref<128x256xf32, #tpu.memory_space<vmem>>
    tpu.enqueue_dma source(%dma_start3A_212 : memref<128x256xf32, #tpu.memory_space<vmem>>) target(%dma_start3A_208 : memref<128x256xf32, #tpu.memory_space<hbm>>) target_semaphore(%dma_start3A_206 : memref<!tpu.dma_semaphore, #tpu.memory_space<semaphore_mem>>)
    %add3A_213 = arith.constant 256 : i32
    %add3A_214 = arith.addi %mul3A_2, %add3A_213 : i32
    %dma_wait3A_215 = arith.constant 0 : i32
    %dma_wait3A_216 = arith.constant 0 : i32
    %dma_wait3A_217 = arith.constant 0 : i32
    %dma_wait3A_218 = arith.constant 0 : i32
    %dma_wait3A_219 = tpu.memref_slice %arg6[%dma_wait3A_215, %dma_wait3A_217, %dma_wait3A_218] : memref<2x128x256xf32, #tpu.memory_space<vmem>> -> memref<1x128x256xf32, #tpu.memory_space<vmem>>
    %dma_wait3A_220 = tpu.memref_squeeze %dma_wait3A_219 : memref<1x128x256xf32, #tpu.memory_space<vmem>> -> memref<128x256xf32, #tpu.memory_space<vmem>>
    %dma_wait3A_221 = arith.constant 0 : i32
    %dma_wait3A_222 = tpu.memref_slice %arg4[%add3A_214, %dma_wait3A_221] : memref<16384x256xf32, #tpu.memory_space<hbm>> -> memref<128x256xf32, #tpu.memory_space<hbm>>
    %dma_wait3A_223 = tpu.memref_slice %arg8[%dma_wait3A_216] : memref<2x!tpu.dma_semaphore, #tpu.memory_space<semaphore_mem>> -> memref<1x!tpu.dma_semaphore, #tpu.memory_space<semaphore_mem>>
    %dma_wait3A_224 = tpu.memref_squeeze %dma_wait3A_223 : memref<1x!tpu.dma_semaphore, #tpu.memory_space<semaphore_mem>> -> memref<!tpu.dma_semaphore, #tpu.memory_space<semaphore_mem>>
    %dma_wait3A_225 = arith.constant 0 : i32
    %dma_wait3A_226 = tpu.memref_slice %arg4[%add3A_214, %dma_wait3A_225] : memref<16384x256xf32, #tpu.memory_space<hbm>> -> memref<128x256xf32, #tpu.memory_space<hbm>>
    %dma_wait3A_227 = arith.constant 0 : i32
    %dma_wait3A_228 = arith.constant 0 : i32
    %dma_wait3A_229 = tpu.memref_slice %arg6[%dma_wait3A_215, %dma_wait3A_227, %dma_wait3A_228] : memref<2x128x256xf32, #tpu.memory_space<vmem>> -> memref<1x128x256xf32, #tpu.memory_space<vmem>>
    %dma_wait3A_230 = tpu.memref_squeeze %dma_wait3A_229 : memref<1x128x256xf32, #tpu.memory_space<vmem>> -> memref<128x256xf32, #tpu.memory_space<vmem>>
    tpu.wait_dma2 semaphore(%dma_wait3A_224 : memref<!tpu.dma_semaphore, #tpu.memory_space<semaphore_mem>>) src(%dma_wait3A_230 : memref<128x256xf32, #tpu.memory_space<vmem>>) dst(%dma_wait3A_226 : memref<128x256xf32, #tpu.memory_space<hbm>>)
    %add3A_231 = arith.constant 384 : i32
    %add3A_232 = arith.addi %mul3A_2, %add3A_231 : i32
    %dma_wait3A_233 = arith.constant 1 : i32
    %dma_wait3A_234 = arith.constant 1 : i32
    %dma_wait3A_235 = arith.constant 0 : i32
    %dma_wait3A_236 = arith.constant 0 : i32
    %dma_wait3A_237 = tpu.memref_slice %arg6[%dma_wait3A_233, %dma_wait3A_235, %dma_wait3A_236] : memref<2x128x256xf32, #tpu.memory_space<vmem>> -> memref<1x128x256xf32, #tpu.memory_space<vmem>>
    %dma_wait3A_238 = tpu.memref_squeeze %dma_wait3A_237 : memref<1x128x256xf32, #tpu.memory_space<vmem>> -> memref<128x256xf32, #tpu.memory_space<vmem>>
    %dma_wait3A_239 = arith.constant 0 : i32
    %dma_wait3A_240 = tpu.memref_slice %arg4[%add3A_232, %dma_wait3A_239] : memref<16384x256xf32, #tpu.memory_space<hbm>> -> memref<128x256xf32, #tpu.memory_space<hbm>>
    %dma_wait3A_241 = tpu.memref_slice %arg8[%dma_wait3A_234] : memref<2x!tpu.dma_semaphore, #tpu.memory_space<semaphore_mem>> -> memref<1x!tpu.dma_semaphore, #tpu.memory_space<semaphore_mem>>
    %dma_wait3A_242 = tpu.memref_squeeze %dma_wait3A_241 : memref<1x!tpu.dma_semaphore, #tpu.memory_space<semaphore_mem>> -> memref<!tpu.dma_semaphore, #tpu.memory_space<semaphore_mem>>
    %dma_wait3A_243 = arith.constant 0 : i32
    %dma_wait3A_244 = tpu.memref_slice %arg4[%add3A_232, %dma_wait3A_243] : memref<16384x256xf32, #tpu.memory_space<hbm>> -> memref<128x256xf32, #tpu.memory_space<hbm>>
    %dma_wait3A_245 = arith.constant 0 : i32
    %dma_wait3A_246 = arith.constant 0 : i32
    %dma_wait3A_247 = tpu.memref_slice %arg6[%dma_wait3A_233, %dma_wait3A_245, %dma_wait3A_246] : memref<2x128x256xf32, #tpu.memory_space<vmem>> -> memref<1x128x256xf32, #tpu.memory_space<vmem>>
    %dma_wait3A_248 = tpu.memref_squeeze %dma_wait3A_247 : memref<1x128x256xf32, #tpu.memory_space<vmem>> -> memref<128x256xf32, #tpu.memory_space<vmem>>
    tpu.wait_dma2 semaphore(%dma_wait3A_242 : memref<!tpu.dma_semaphore, #tpu.memory_space<semaphore_mem>>) src(%dma_wait3A_248 : memref<128x256xf32, #tpu.memory_space<vmem>>) dst(%dma_wait3A_244 : memref<128x256xf32, #tpu.memory_space<hbm>>)
    return
  }
}

module attributes {stable_mosaic.version = 14 : i64} {
  func.func @_dist_body(%arg0: i32, %arg1: memref<1x256x1024xf32, #tpu.memory_space<vmem>>, %arg2: memref<1024x256xf32, #tpu.memory_space<vmem>>, %arg3: memref<1x1x1024xi32, #tpu.memory_space<vmem>>, %arg4: memref<1x1xf32, #tpu.memory_space<vmem>>) attributes {dimension_semantics = [#tpu.dimension_semantics<arbitrary>], iteration_bounds = array<i64: 16>, scalar_prefetch = 0 : i64, scratch_operands = 0 : i64, tpu.core_type = #tpu.core_type<tc>, window_params = [{transform_indices = @transform_0, window_bounds = array<i64: 1, 256, 1024>}, {pipeline_mode = #tpu.pipeline_mode<synchronous>, transform_indices = @transform_1, window_bounds = array<i64: 1024, 256>}, {transform_indices = @transform_2, window_bounds = array<i64: 1, 1, 1024>}, {pipeline_mode = #tpu.pipeline_mode<synchronous>, transform_indices = @transform_3, window_bounds = array<i64: 1, 1>}]} {
    %get3A = arith.constant 0 : index
    %get3A_0 = arith.constant 0 : index
    %get3A_1 = arith.constant 0 : index
    %get3A_2 = vector.load %arg1[%get3A, %get3A_0, %get3A_1] : memref<1x256x1024xf32, #tpu.memory_space<vmem>>, vector<1x256x1024xf32>
    %get3A_3 = vector.shape_cast %get3A_2 : vector<1x256x1024xf32> to vector<256x1024xf32>
    %get3A_4 = arith.constant 0 : index
    %get3A_5 = arith.constant 0 : index
    %get3A_6 = vector.load %arg2[%get3A_4, %get3A_5] : memref<1024x256xf32, #tpu.memory_space<vmem>>, vector<1024x256xf32>
    %mul3A = arith.mulf %get3A_6, %get3A_6 : vector<1024x256xf32>
    %reduce_sum3A = arith.constant dense<0.000000e+00> : vector<1024xf32>
    %reduce_sum3A_7 = vector.multi_reduction <add>, %mul3A, %reduce_sum3A [1] : vector<1024x256xf32> to vector<1024xf32>
    %slice3A = vector.extract_strided_slice %get3A_3 {offsets = [0, 0], sizes = [256, 512], strides = [1, 1]} : vector<256x1024xf32> to vector<256x512xf32>
    %dot_general3A = arith.constant dense<0.000000e+00> : vector<1024x512xf32>
    %dot_general3A_8 = tpu.matmul %get3A_6, %slice3A, %dot_general3A {dimension_numbers = #tpu.dot_dimension_numbers<[1], [0], [0], [1], [0, 0, 1, 1], [], []>, transpose_lhs_hint = false} : vector<1024x256xf32>, vector<256x512xf32>, vector<1024x512xf32> -> vector<1024x512xf32>
    %mul3A_9 = arith.mulf %slice3A, %slice3A : vector<256x512xf32>
    %reduce_sum3A_10 = arith.constant dense<0.000000e+00> : vector<512xf32>
    %reduce_sum3A_11 = vector.multi_reduction <add>, %mul3A_9, %reduce_sum3A_10 [0] : vector<256x512xf32> to vector<512xf32>
    %broadcast_in_dim3A = vector.shape_cast %reduce_sum3A_7 : vector<1024xf32> to vector<1024x1xf32>
    %broadcast_in_dim3A_12 = vector.shape_cast %reduce_sum3A_11 : vector<512xf32> to vector<1x512xf32>
    %add3A = vector.broadcast %broadcast_in_dim3A : vector<1024x1xf32> to vector<1024x512xf32>
    %add3A_13 = vector.broadcast %broadcast_in_dim3A_12 : vector<1x512xf32> to vector<1024x512xf32>
    %add3A_14 = arith.addf %add3A, %add3A_13 : vector<1024x512xf32>
    %mul3A_15 = arith.constant 2.000000e+00 : f32
    %mul3A_16 = vector.broadcast %mul3A_15 : f32 to vector<1024x512xf32>
    %mul3A_17 = arith.mulf %mul3A_16, %dot_general3A_8 : vector<1024x512xf32>
    %sub3A = arith.subf %add3A_14, %mul3A_17 : vector<1024x512xf32>
    %reduce_min3A = arith.constant dense<0x7F800000> : vector<512xf32>
    %reduce_min3A_18 = vector.multi_reduction <minimumf>, %sub3A, %reduce_min3A [0] : vector<1024x512xf32> to vector<512xf32>
    %argmin3A = tpu.reduce_index %sub3A {axis = 0 : i32, kind = #tpu.reduction_kind<arg_min>} : vector<1024x512xf32> -> vector<512xi32>
    %reduce_sum3A_19 = vector.shape_cast %reduce_min3A_18 : vector<512xf32> to vector<1x512xf32>
    %reduce_sum3A_20 = arith.constant dense<0.000000e+00> : vector<1xf32>
    %reduce_sum3A_21 = vector.multi_reduction <add>, %reduce_sum3A_19, %reduce_sum3A_20 [1] : vector<1x512xf32> to vector<1xf32>
    %reduce_sum3A_22 = vector.shape_cast %reduce_sum3A_21 : vector<1xf32> to vector<1x1xf32>
    %reduce_sum3A_23 = vector.extract %reduce_sum3A_22[0, 0] : f32 from vector<1x1xf32>
    %add3A_24 = arith.constant 0.000000e+00 : f32
    %add3A_25 = arith.addf %add3A_24, %reduce_sum3A_23 : f32
    %swap3A = arith.constant 0 : index
    %swap3A_26 = arith.constant 0 : index
    %swap3A_27 = arith.constant 0 : index
    %swap3A_28 = vector.load %arg3[%swap3A, %swap3A_26, %swap3A_27] : memref<1x1x1024xi32, #tpu.memory_space<vmem>>, vector<1x1x512xi32>
    %swap3A_29 = vector.shape_cast %swap3A_28 : vector<1x1x512xi32> to vector<512xi32>
    %swap3A_30 = vector.shape_cast %argmin3A : vector<512xi32> to vector<1x1x512xi32>
    tpu.vector_store %arg3[%swap3A, %swap3A_26, %swap3A_27], %swap3A_30 {strides = array<i32>} : memref<1x1x1024xi32, #tpu.memory_space<vmem>>, vector<1x1x512xi32>,
    %slice3A_31 = vector.extract_strided_slice %get3A_3 {offsets = [0, 512], sizes = [256, 512], strides = [1, 1]} : vector<256x1024xf32> to vector<256x512xf32>
    %dot_general3A_32 = arith.constant dense<0.000000e+00> : vector<1024x512xf32>
    %dot_general3A_33 = tpu.matmul %get3A_6, %slice3A_31, %dot_general3A_32 {dimension_numbers = #tpu.dot_dimension_numbers<[1], [0], [0], [1], [0, 0, 1, 1], [], []>, transpose_lhs_hint = false} : vector<1024x256xf32>, vector<256x512xf32>, vector<1024x512xf32> -> vector<1024x512xf32>
    %mul3A_34 = arith.mulf %slice3A_31, %slice3A_31 : vector<256x512xf32>
    %reduce_sum3A_35 = arith.constant dense<0.000000e+00> : vector<512xf32>
    %reduce_sum3A_36 = vector.multi_reduction <add>, %mul3A_34, %reduce_sum3A_35 [0] : vector<256x512xf32> to vector<512xf32>
    %broadcast_in_dim3A_37 = vector.shape_cast %reduce_sum3A_7 : vector<1024xf32> to vector<1024x1xf32>
    %broadcast_in_dim3A_38 = vector.shape_cast %reduce_sum3A_36 : vector<512xf32> to vector<1x512xf32>
    %add3A_39 = vector.broadcast %broadcast_in_dim3A_37 : vector<1024x1xf32> to vector<1024x512xf32>
    %add3A_40 = vector.broadcast %broadcast_in_dim3A_38 : vector<1x512xf32> to vector<1024x512xf32>
    %add3A_41 = arith.addf %add3A_39, %add3A_40 : vector<1024x512xf32>
    %mul3A_42 = arith.constant 2.000000e+00 : f32
    %mul3A_43 = vector.broadcast %mul3A_42 : f32 to vector<1024x512xf32>
    %mul3A_44 = arith.mulf %mul3A_43, %dot_general3A_33 : vector<1024x512xf32>
    %sub3A_45 = arith.subf %add3A_41, %mul3A_44 : vector<1024x512xf32>
    %reduce_min3A_46 = arith.constant dense<0x7F800000> : vector<512xf32>
    %reduce_min3A_47 = vector.multi_reduction <minimumf>, %sub3A_45, %reduce_min3A_46 [0] : vector<1024x512xf32> to vector<512xf32>
    %argmin3A_48 = tpu.reduce_index %sub3A_45 {axis = 0 : i32, kind = #tpu.reduction_kind<arg_min>} : vector<1024x512xf32> -> vector<512xi32>
    %reduce_sum3A_49 = vector.shape_cast %reduce_min3A_47 : vector<512xf32> to vector<1x512xf32>
    %reduce_sum3A_50 = arith.constant dense<0.000000e+00> : vector<1xf32>
    %reduce_sum3A_51 = vector.multi_reduction <add>, %reduce_sum3A_49, %reduce_sum3A_50 [1] : vector<1x512xf32> to vector<1xf32>
    %reduce_sum3A_52 = vector.shape_cast %reduce_sum3A_51 : vector<1xf32> to vector<1x1xf32>
    %reduce_sum3A_53 = vector.extract %reduce_sum3A_52[0, 0] : f32 from vector<1x1xf32>
    %add3A_54 = arith.addf %add3A_25, %reduce_sum3A_53 : f32
    %swap3A_55 = arith.constant 0 : index
    %swap3A_56 = arith.constant 0 : index
    %swap3A_57 = arith.constant 512 : index
    %swap3A_58 = vector.load %arg3[%swap3A_55, %swap3A_56, %swap3A_57] : memref<1x1x1024xi32, #tpu.memory_space<vmem>>, vector<1x1x512xi32>
    %swap3A_59 = vector.shape_cast %swap3A_58 : vector<1x1x512xi32> to vector<512xi32>
    %swap3A_60 = vector.shape_cast %argmin3A_48 : vector<512xi32> to vector<1x1x512xi32>
    tpu.vector_store %arg3[%swap3A_55, %swap3A_56, %swap3A_57], %swap3A_60 {strides = array<i32>} : memref<1x1x1024xi32, #tpu.memory_space<vmem>>, vector<1x1x512xi32>,
    %reshape3A = vector.broadcast %add3A_54 : f32 to vector<1x1xf32>
    %eq3A = arith.constant 0 : i32
    %eq3A_61 = arith.cmpi eq, %arg0, %eq3A : i32
    %convert_element_type3A = arith.extui %eq3A_61 : i1 to i32
    %cond3A = arith.constant 0 : i32
    %cond3A_62 = arith.cmpi ne, %convert_element_type3A, %cond3A : i32
    scf.if %cond3A_62 {
      %swap3A_67 = arith.constant 0 : index
      %swap3A_68 = arith.constant 0 : index
      %swap3A_69 = vector.load %arg4[%swap3A_67, %swap3A_68] : memref<1x1xf32, #tpu.memory_space<vmem>>, vector<1x1xf32>
      tpu.vector_store %arg4[%swap3A_67, %swap3A_68], %reshape3A {strides = array<i32>} : memref<1x1xf32, #tpu.memory_space<vmem>>, vector<1x1xf32>,
    } else {
    }
    %gt3A = arith.constant 0 : i32
    %gt3A_63 = arith.cmpi sgt, %arg0, %gt3A : i32
    %convert_element_type3A_64 = arith.extui %gt3A_63 : i1 to i32
    %cond3A_65 = arith.constant 0 : i32
    %cond3A_66 = arith.cmpi ne, %convert_element_type3A_64, %cond3A_65 : i32
    scf.if %cond3A_66 {
      %get3A_67 = arith.constant 0 : index
      %get3A_68 = arith.constant 0 : index
      %get3A_69 = vector.load %arg4[%get3A_67, %get3A_68] : memref<1x1xf32, #tpu.memory_space<vmem>>, vector<1x1xf32>
      %add3A_70 = arith.addf %get3A_69, %reshape3A : vector<1x1xf32>
      %swap3A_71 = arith.constant 0 : index
      %swap3A_72 = arith.constant 0 : index
      %swap3A_73 = vector.load %arg4[%swap3A_71, %swap3A_72] : memref<1x1xf32, #tpu.memory_space<vmem>>, vector<1x1xf32>
      tpu.vector_store %arg4[%swap3A_71, %swap3A_72], %add3A_70 {strides = array<i32>} : memref<1x1xf32, #tpu.memory_space<vmem>>, vector<1x1xf32>,
    } else {
    }
    return
  }
  func.func @transform_0(%arg0: i32) -> (i32, i32, i32) {
    %c0_i32 = arith.constant 0 : i32
    %c0_i32_0 = arith.constant 0 : i32
    %c0_i32_1 = arith.constant 0 : i32
    return %arg0, %c0_i32, %c0_i32_0 : i32, i32, i32
  }
  func.func @transform_1(%arg0: i32) -> (i32, i32) {
    %c0_i32 = arith.constant 0 : i32
    %c0_i32_0 = arith.constant 0 : i32
    %c0_i32_1 = arith.constant 0 : i32
    return %c0_i32, %c0_i32_0 : i32, i32
  }
  func.func @transform_2(%arg0: i32) -> (i32, i32, i32) {
    %c0_i32 = arith.constant 0 : i32
    %c0_i32_0 = arith.constant 0 : i32
    %c0_i32_1 = arith.constant 0 : i32
    return %arg0, %c0_i32, %c0_i32_0 : i32, i32, i32
  }
  func.func @transform_3(%arg0: i32) -> (i32, i32) {
    %c0_i32 = arith.constant 0 : i32
    %c0_i32_0 = arith.constant 0 : i32
    %c0_i32_1 = arith.constant 0 : i32
    return %c0_i32, %c0_i32_0 : i32, i32
  }
}

</mosaic_0001>

<sc_bundles>
// kernel: _vq.4.cloned.1.call-start
scs
__scs_entry_jumppad:
0x0: {  	(pc) =	sbr.rel $0x88, $3  }
0x1: {  	(tag) =	ssettag $0x0;
	lr =	simm.s32 $0x1  }
0x2: {  	[smem:$0x3F9F] =	sst lr;
	_ =	strace $0xD0000000  }
0x3: {  	_ = 	snop  }
0x4: {  	_ = 	snop  }
0x5: {  	_ = 	snop  }
0x6: {  	_ = 	snop  }
0x7: {  	_ = 	snop  }
__scs_overlays_trampoline_lowered:
0x8: {  	[smem:$0x3FAE] =	sst s0  }
0x9: {  	[smem:$0x3FAF] =	sst s1  }
0xa: {  	[smem:$0x3FB0] =	sst s2  }
0xb: {  	[smem:$0x3FB1] =	sst s3  }
0xc: {  	[smem:$0x3FB2] =	sst s4  }
0xd: {  	[smem:$0x3FB3] =	sst s5  }
0xe: {  	[smem:$0x3FB4] =	sst s6  }
0xf: {  	[smem:$0x3FB5] =	sst s7  }
0x10: {  	[smem:$0x3FB6] =	sst s8  }
0x11: {  	[smem:$0x3FB7] =	sst s9;
	s0 =	simm.s32 @!p0 $0x0  }
0x12: {  	s1 =	sld [smem:$0x3F9D];
	s0 =	simm.s32 @p0 $0x1  }
0x13: {  	[smem:$0x3FB8] =	sst s0;
	s0 =	simm.s32 @!p1 $0x0  }
0x14: {  	s2 =	sld [smem:$0x3F9C];
	s0 =	simm.s32 @p1 $0x1  }
0x15: {  	[smem:$0x3FB9] =	sst s0;
	s0 =	simm.s32 @!p2 $0x0  }
0x16: {  	s3 =	sld [smem:$0x3FDB];
	s0 =	simm.s32 @p2 $0x1  }
0x17: {  	s4 =	simm.s32 $0x1BF5;
	[smem:$0x3FBB] =	sst s0  }
0x18: {  	s0 =	sld [smem:$0x3F9E];
	_ =	swait.ge [sflag:s4], $0x0  }
0x19: {  	s7 =	sld [smem:$0x3F9F]  }
0x1a: {  	s8 =	sadd.s32 $0xFFFFE003, lr  }
0x1b: {  	s9 =	sadd.s32 $0xFFFFFEF7, lr;
	s5 =	simm.s32 $0xFFFFFFFF;
	p2 =	slt.u32 s8, $0xFFFFF086  }
0x1c: {  	p1 =	slt.u32 s9, $0xF7A;
	s5 =	simm.s32 @!p2 $0x0  }
0x1d: {  	s5 =	simm.s32 @p1 $0x1;
	p0 =	seq.s32 s7, s2  }
0x1e: {  	s7 =	smul.u32 @!p0 $0xF7A, s2;
	p2 =	seq.s32 @!p0 s5, $0x0  }
0x1f: {  	s9 =	smul.u32 $0xF7A, s1;
	s8 =	simm.s32 @!p0 $0x1BF5;
	p2 =	por !p2, p0  }
0x20: {  	[sflag:s8] =	ssyncset.s32 @!p0 $0xFFFFF086;
	s6 =	sadd.s32 @!p0 s3, s7;
	s7 =	simm.s32 @!p0 $0x108  }
0x21: {  	s3 =	sadd.s32 s3, s9;
	s6 =	sadd.s32 @!p0 $0x88, s6;
	s7 =	simm.s32 @p2 $0x1082  }
0x22: {  	[simem:s7], [sflag:s8] =	dma.local @!p0 [hbm:s6], $0xF7A  }
0x23: {  	s9 =	sor.u32 $0xD0000000, s2;
	s6 =	simm.s32 $0x108;
	_ =	swait.ge @!p0 [sflag:s8], $0x0  }
0x24: {  	s3 =	sadd.s32 $0x88, s3;
	s6 =	simm.s32 @!p1 $0x1082;
	[sflag:s4] =	ssyncset.s32 $0xFFFFF086  }
0x25: {  	[simem:s6], [sflag:s4] =	dma.local [hbm:s3], $0xF7A  }
0x26: {  	[smem:$0x3F9F] =	sst s1;
	(tag) =	ssettag s2;
	_ =	strace s9  }
0x27: {  	s1 =	sld [smem:$0x3FAF]  }
0x28: {  	s2 =	sld [smem:$0x3FB0]  }
0x29: {  	s4 =	sld [smem:$0x3FB2]  }
0x2a: {  	p0 =	seq.s32 s5, $0x0;
	s5 =	sld [smem:$0x3FB3]  }
0x2b: {  	s6 =	sld [smem:$0x3FB4]  }
0x2c: {  	s7 =	sld [smem:$0x3FB5]  }
0x2d: {  	s3 =	simm.s32 $0x108;
	s8 =	sld [smem:$0x3FB6]  }
0x2e: {  	s3 =	simm.s32 @!p0 $0x1082;
	s9 =	sld [smem:$0x3FB7]  }
0x2f: {  	lr =	sadd.s32 s0, s3;
	s0 =	sld [smem:$0x3FAE]  }
0x30: {  	s3 =	sld [smem:$0x3FB1]  }
0x31: {  	[smem:$0x3FBA] =	sst s10  }
0x32: {  	s10 =	sld [smem:$0x3FB8];
	_ =	sdelay $0x3  }
0x33: {  	p0 =	seq.s32 s10, $0x1;
	s10 =	sld [smem:$0x3FBA];
	_ =	sdelay $0x3  }
0x34: {  	[smem:$0x3FBA] =	sst s10  }
0x35: {  	s10 =	sld [smem:$0x3FB9];
	_ =	sdelay $0x3  }
0x36: {  	p1 =	seq.s32 s10, $0x1;
	s10 =	sld [smem:$0x3FBA];
	_ =	sdelay $0x3  }
0x37: {  	[smem:$0x3FBA] =	sst s10  }
0x38: {  	s10 =	sld [smem:$0x3FBB]  }
0x39: {  	_ = 	snop;
	(pc) =	sbr.ind lr, $3  }
0x3a: {  	_ = 	snop  }
0x3b: {  	_ = 	snop  }
0x3c: {  	p2 =	seq.s32 s10, $0x1;
	s10 =	sld [smem:$0x3FBA]  }
0x3d: {  	_ =	shalt  }
0x3e: {  	_ =	shalt  }
0x3f: {  	_ =	shalt  }
0x40: {  	_ =	shalt  }
0x41: {  	_ =	shalt  }
0x42: {  	_ =	shalt  }
0x43: {  	_ =	shalt  }
0x44: {  	_ =	shalt  }
0x45: {  	_ =	shalt  }
0x46: {  	_ =	shalt  }
0x47: {  	_ =	shalt  }
0x48: {  	_ =	shalt  }
0x49: {  	_ =	shalt  }
0x4a: {  	_ =	shalt  }
0x4b: {  	_ =	shalt  }
0x4c: {  	_ =	shalt  }
0x4d: {  	_ =	shalt  }
0x4e: {  	_ =	shalt  }
0x4f: {  	_ =	shalt  }
0x50: {  	_ =	shalt  }
0x51: {  	_ =	shalt  }
0x52: {  	_ =	shalt  }
0x53: {  	_ =	shalt  }
0x54: {  	_ =	shalt  }
0x55: {  	_ =	shalt  }
0x56: {  	_ =	shalt  }
0x57: {  	_ =	shalt  }
0x58: {  	_ =	shalt  }
0x59: {  	_ =	shalt  }
0x5a: {  	_ =	shalt  }
0x5b: {  	_ =	shalt  }
0x5c: {  	_ =	shalt  }
0x5d: {  	_ =	shalt  }
0x5e: {  	_ =	shalt  }
0x5f: {  	_ =	shalt  }
0x60: {  	_ =	shalt  }
0x61: {  	_ =	shalt  }
0x62: {  	_ =	shalt  }
0x63: {  	_ =	shalt  }
0x64: {  	_ =	shalt  }
0x65: {  	_ =	shalt  }
0x66: {  	_ =	shalt  }
0x67: {  	_ =	shalt  }
0x68: {  	_ =	shalt  }
0x69: {  	_ =	shalt  }
0x6a: {  	_ =	shalt  }
0x6b: {  	_ =	shalt  }
0x6c: {  	_ =	shalt  }
0x6d: {  	_ =	shalt  }
0x6e: {  	_ =	shalt  }
0x6f: {  	_ =	shalt  }
0x70: {  	_ =	shalt  }
0x71: {  	_ =	shalt  }
0x72: {  	_ =	shalt  }
0x73: {  	_ =	shalt  }
0x74: {  	_ =	shalt  }
0x75: {  	_ =	shalt  }
0x76: {  	_ =	shalt  }
0x77: {  	_ =	shalt  }
0x78: {  	_ =	shalt  }
0x79: {  	_ =	shalt  }
0x7a: {  	_ =	shalt  }
0x7b: {  	_ =	shalt  }
0x7c: {  	_ =	shalt  }
0x7d: {  	_ =	shalt  }
0x7e: {  	_ =	shalt  }
0x7f: {  	_ =	shalt  }
0x80: {  	_ =	shalt  }
0x81: {  	_ =	shalt  }
0x82: {  	_ =	shalt  }
0x83: {  	_ =	shalt  }
0x84: {  	_ =	shalt  }
0x85: {  	_ =	shalt  }
0x86: {  	_ =	shalt  }
0x87: {  	_ =	shalt  }
.Lfunc_end0:
.L_simem_size_0:
called_computation_lowered:
.L_overlay_start_0:
0x88: {  	s2 =	sld [smem:$0x3FD9]  }
0x89: {  	s3 =	sld [smem:$0x3FFE];
	_ =	sdelay $0x1  }
0x8a: {  	s1 =	srdreg.scid  }
0x8b: {  	s0 =	sand.u32 $0x1, s1  }
0x8c: {  	s14 =	sshll.u32 s0, $0xA;
	s2 =	sadd.s32 s3, s2  }
0x8d: {  	s2 =	sadd.s32 s2, s14  }
0x8e: {  	[smem:$0x3FC6] =	sst s2  }
0x8f: {  	_ = 	snop  }
0x90: {  	s2 =	sld [smem:$0x3FD0];
	_ =	sdelay $0x2  }
0x91: {  	s4 =	simm.s32 $0xA;
	s5 =	simm.s32 $0x10;
	s15 =	sld [smem:$0x3FC8]  }
0x92: {  	[smem:s5], [sflag:s4] =	dma.local [hbm:s2], $0x1  }
0x93: {  	_ =	swait.eq [sflag:s4], $0x1  }
0x94: {  	[sflag:s4] =	ssyncset.done $0x0  }
0x95: {  	[sflag:s4] =	ssyncadd.s32 $0xFFFFFFFF  }
0x96: {  	s16 =	sld [smem:$0x10];
	(tm) =	ssettm $0x1  }
0x97: {  	s17 =	sld [smem:$0x3FFB];
	_ =	sdelay $0x3  }
0x98: {  	_ =	strace s17  }
0x99: {  	s4 =	sld [smem:$0x3FFC];
	_ =	sdelay $0x3  }
0x9a: {  	_ =	strace s4  }
0x9b: {  	s4 =	sld [smem:$0x3FFD];
	_ =	sdelay $0x3  }
0x9c: {  	_ =	strace s4  }
0x9d: {  	_ =	strace $0x8FFFFFFF  }
0x9e: {  	s18 =	sld [smem:$0x3FDB];
	_ =	sdelay $0x1  }
0x9f: {  	s19 =	simm.s32 $_scs_section_size  }
0xa0: {  	s6 =	simm.s32 $_size__tile_overlayer_lowered;
	s7 =	simm.s32 $_tile_overlayer_lowered  }
0xa1: {  	s22 =	simm.s32 $0x1BFF;
	s21 =	sshll.u32 s7, $0x1;
	s4 =	sadd.s32 s19, s18  }
0xa2: {  	s8 =	simm.s32 $0x0;
	s20 =	sshll.u32 s6, $0x1;
	s6 =	sadd.s32 s21, s4  }
0xa3: {  	[timem:s8], [sflag:s22] =	dma.local [hbm:s6], s20  }
0xa4: {  	_ =	swait.ge [sflag:s22], s20  }
0xa5: {  	s5 =	ssub.s32 $0x0, s20;
	[sflag:s22] =	ssyncset.done $0x0  }
0xa6: {  	[sflag:s22] =	ssyncadd.s32 s5;
	_ =	sdelay $0x1  }
0xa7: {  	s23 =	simm.s32 $0x1B8B  }
0xa8: {  	_ =	swait.ge [sflag:s23], $0x1  }
0xa9: {  	[sflag:s23] =	ssyncset.done $0x0  }
0xaa: {  	s25 =	simm.s32 $0x1B8E;
	s24 =	sld [smem:$0x3FFE];
	[sflag:s23] =	ssyncadd.s32 $0xFFFFFFFF  }
0xab: {  	s26 =	simm.s32 $execute0_lowered;
	[smem:$0x3FD2] =	sst s25  }
0xac: {  	s6 =	sshll.u32 s26, $0x1;
	_ =	strace $0x80000046;
	[dreg:$0x1] =	wrdreg $0xFFFFFFFF  }
0xad: {  	s28 =	simm.s32 $_size_execute0_lowered;
	s4 =	sadd.s32 s4, s6;
	[dreg:$0x0] =	wrdreg $0x0  }
0xae: {  	s6 =	sshll.u32 s28, $0x1;
	[dreg:$0x2] =	wrdreg s4  }
0xaf: {  	[dreg:$0x3] =	wrdreg s6  }
0xb0: {  	[dreg:$0x4] =	wrdreg $0xC0  }
0xb1: {  	_ =	task [dreg:s8], $0x5FFFF  }
0xb2: {  	[dreg:$0x1] =	wrdreg $0xFFFFFFFF  }
0xb3: {  	[dreg:$0x0] =	wrdreg $0x60  }
0xb4: {  	[dreg:$0x2] =	wrdreg s15  }
0xb5: {  	[dreg:$0x3] =	wrdreg s24  }
0xb6: {  	[dreg:$0x4] =	wrdreg s16  }
0xb7: {  	[dreg:$0x5] =	wrdreg $0x9  }
0xb8: {  	_ =	task.clear_ibuf [dreg:s8], $0x6FFFF;
	_ =	strace $0x90000046  }
0xb9: {  	s29 =	simm.s32 $0x9;
	_ =	strace $0x80000048  }
0xba: {  	_ =	swait.ge [sflag:s29], $0x1  }
0xbb: {  	[sflag:s29] =	ssyncadd.s32 $0xFFFFFFFF  }
0xbc: {  	_ =	strace $0x90000048  }
0xbd: {  	_ =	sfence  }
0xbe: {  	s30 =	sld [smem:$0x0];
	_ =	sdelay $0x2  }
0xbf: {  	s31 =	sshll.u32 s1, $0xD;
	s1 =	sshrl.u32 s1, $0x2  }
0xc0: {  	s3 =	sand.u32 $0x4000, s31;
	s1 =	sadd.s32 s1, s30  }
0xc1: {  	s0 =	sor.u32 s3, s0;
	s1 =	sshll.u32 s1, $0x11  }
0xc2: {  	s0 =	sor.u32 s1, s0  }
0xc3: {  	s0 =	sadd.s32 $0x8F2B, s0  }
0xc4: {  	[sflag:s0] =	ssyncadd.remote.s32 $0x1  }
0xc5: {  	_ =	sfence.sel $0xFFFF  }
0xc6: {  	[dreg:$0x0] =	wrdreg $0xFFFFFFFF;
	(pc) =	sbr.abs _section_cstart, $3  }
0xc7: {  	[dreg:$0x1] =	wrdreg $0xFFFFFFFF  }
0xc8: {  	_ =	task.clear_ibuf [dreg:s8], $0x2FFFF;
	_ =	strace $0x9FFFFFFF  }
0xc9: {  	(tm) =	ssettm $0x7FFFFFFF  }
tec
execute0_lowered:
.L_overlay_start_1:
0x0: {  	(tag) =	ssettag $0x1  }
0x1: {  	s1 =	rddreg [dreg:$0x0]  }
0x2: {  	s0 =	srdreg.scid;
	s2 =	rddreg [dreg:$0x1]  }
0x3: {  	s3 =	stileid.u32;
	s5 =	rddreg [dreg:$0x2]  }
0x4: {  	s16 =	simm.s32 $0x3;
	s17 =	simm.s32 $0x4;
	s19 =	simm.s32 $0x1200  }
0x5: {  	s20 =	simm.s32 $0x1A00;
	s21 =	simm.s32 $0x2200;
	s22 =	simm.s32 $0x2A00  }
0x6: {  	s28 =	simm.s32 $0x4200;
	s29 =	simm.s32 $0x4A00;
	s30 =	simm.s32 $0x5200  }
0x7: {  	s31 =	simm.s32 $0x5A00;
	s8 =	simm.s32 $0x7200;
	s9 =	simm.s32 $0x7A00  }
0x8: {  	s10 =	simm.s32 $0x8A00;
	s11 =	simm.s32 $0x9200;
	s13 =	simm.s32 $0xA200  }
0x9: {  	s14 =	simm.s32 $0xAA00;
	s15 =	simm.s32 $0x200;
	s0 =	sand.u32 $0x1, s0  }
0xa: {  	s3 =	sshll.u32 s3, $0xA;
	s4 =	sshll.u32 s0, $0x9;
	s0 =	ssub.s32 $0x2, s0  }
0xb: {  	s4 =	sor.u32 s4, s3;
	s3 =	simm.s32 $0x0;
	s24 =	sshrl.u32 s0, $0x1  }
0xc: {  	s6 =	sshrl.u32 s4, $0x3;
	[smem:$0x7FF] =	sst s3;
	s4 =	sshll.u32 s4, $0x5  }
0xd: {  	s0 =	ssub.s32 s0, s24;
	s2 =	sadd.s32 s6, s2;
	s4 =	sadd.s32 s5, s4  }
0xe: {  	_ =	strace $0x80000047;
	s2 =	sadd.s32 $0x800, s2;
	[dreg:$0x8] =	wrdreg s4  }
0xf: {  	s24 =	simm.s32 $0xC200;
	s23 =	sadd.s32 $0x1000, s4;
	[dreg:$0x4] =	wrdreg s2  }
0x10: {  	s5 =	smax.u32 s0, $0x1;
	s25 =	sadd.s32 $0x2000, s4;
	[dreg:$0x5] =	wrdreg s23  }
0x11: {  	v2 =	vlaneseq.u32;
	s6 =	simm.s32 $0x2;
	s26 =	sadd.s32 $0x3000, s4;
	[dreg:$0x6] =	wrdreg s25  }
0x12: {  	vm0 =	vmmov $0xffff;
	v1 =	vshrl.u32 v2, $0x3;
	s4 =	simm.s32 $0x6A00;
	[dreg:$0x7] =	wrdreg s26;
	s25 =	simm.s32 $0x3200  }
0x13: {  	v0 =	vand.u32 $0x7, v2;
	v2 =	vor.u32 $0x8, v2;
	v1 =	vmul.u32 $0x8, v1;
	s26 =	simm.s32 $0x3A00;
	s2 =	simm.s32 $0x6200;
	s23 =	simm.s32 $0x8200  }
.LBB2_1:
0x14: {  	s18 =	rddreg [dreg:$0x4];
	s0 =	simm.s32 $0x5  }
0x15: {  	[tilespmem:s3], [sflag:$0x5] =	stream.linear.gather [hbm4b:s18+s3], $0x200, $0x38;
	[tilespmem:$0x10200] =	vst v63  }
0x16: {  	_ =	swait.ge [sflag:s0], $0x200  }
0x17: {  	[sflag:s0] =	ssyncset.done $0x0  }
0x18: {  	[sflag:s0] =	ssyncadd.s32 $0xFFFFFE00  }
0x19: {  	v3 =	vld [tilespmem:$0x0];
	_ =	sdelay $0x4  }
0x1a: {  	v4 =	vshll.u32 v3, $0x1  }
0x1b: {  	v3 =	vand.u32 $0x7, v3;
	v4 =	vand.u32 $0xFFFFFFF0, v4  }
0x1c: {  	v3 =	vor.u32 v3, v4  }
0x1d: {  	v4 =	vperm.xlane v3, v0;
	_ =	sdelay $0x1  }
0x1e: {  	v3 =	vperm.xlane v3, v2;
	v4 =	vadd.s32 v1, v4;
	_ =	sdelay $0x1  }
0x1f: {  	v3 =	vadd.s32 v1, v3;
	_ =	sdelay $0x1  }
0x20: {  	s7 =	simm.s32 $0x200  }
0x21: {  	[tilespmem:s7], [sflag:$0x1] =	stream.indirect_vreg.gather [hbm4b:s1+s3], $0x80, v4, vm0, $0xb8;
	[tilespmem:$0x10200] =	vst v63  }
0x22: {  	s18 =	simm.s32 $0xA00  }
0x23: {  	[tilespmem:s18], [sflag:$0x1] =	stream.indirect_vreg.gather [hbm4b:s1+s3], $0x80, v3, vm0, $0xb8;
	[tilespmem:$0x10200] =	vst v63  }
0x24: {  	v3 =	vld [tilespmem:$0x10];
	_ =	sdelay $0x4  }
0x25: {  	v33 =	vshll.u32 v3, $0x1  }
0x26: {  	v3 =	vand.u32 $0x7, v3;
	v4 =	vand.u32 $0xFFFFFFF0, v33  }
0x27: {  	v3 =	vor.u32 v3, v4  }
0x28: {  	v4 =	vperm.xlane v3, v0;
	_ =	sdelay $0x1  }
0x29: {  	v3 =	vperm.xlane v3, v2;
	v4 =	vadd.s32 v1, v4;
	_ =	sdelay $0x1  }
0x2a: {  	v3 =	vadd.s32 v1, v3;
	_ =	sdelay $0x2  }
0x2b: {  	[tilespmem:s19], [sflag:$0x1] =	stream.indirect_vreg.gather [hbm4b:s1+s3], $0x80, v4, vm0, $0xb8;
	[tilespmem:$0x10200] =	vst v63  }
0x2c: {  	_ = 	snop  }
0x2d: {  	[tilespmem:s20], [sflag:$0x1] =	stream.indirect_vreg.gather [hbm4b:s1+s3], $0x80, v3, vm0, $0xb8;
	[tilespmem:$0x10200] =	vst v63  }
0x2e: {  	v3 =	vld [tilespmem:$0x20];
	_ =	sdelay $0x4  }
0x2f: {  	v34 =	vshll.u32 v3, $0x1  }
0x30: {  	v3 =	vand.u32 $0x7, v3;
	v4 =	vand.u32 $0xFFFFFFF0, v34  }
0x31: {  	v3 =	vor.u32 v3, v4  }
0x32: {  	v4 =	vperm.xlane v3, v0;
	_ =	sdelay $0x1  }
0x33: {  	v3 =	vperm.xlane v3, v2;
	v4 =	vadd.s32 v1, v4;
	_ =	sdelay $0x1  }
0x34: {  	v3 =	vadd.s32 v1, v3;
	_ =	sdelay $0x2  }
0x35: {  	[tilespmem:s21], [sflag:$0x1] =	stream.indirect_vreg.gather [hbm4b:s1+s3], $0x80, v4, vm0, $0xb8;
	[tilespmem:$0x10200] =	vst v63  }
0x36: {  	_ = 	snop  }
0x37: {  	[tilespmem:s22], [sflag:$0x1] =	stream.indirect_vreg.gather [hbm4b:s1+s3], $0x80, v3, vm0, $0xb8;
	[tilespmem:$0x10200] =	vst v63  }
0x38: {  	v3 =	vld [tilespmem:$0x30];
	_ =	sdelay $0x4  }
0x39: {  	v35 =	vshll.u32 v3, $0x1  }
0x3a: {  	v3 =	vand.u32 $0x7, v3;
	v4 =	vand.u32 $0xFFFFFFF0, v35  }
0x3b: {  	v3 =	vor.u32 v3, v4  }
0x3c: {  	v4 =	vperm.xlane v3, v0;
	_ =	sdelay $0x1  }
0x3d: {  	v3 =	vperm.xlane v3, v2;
	v4 =	vadd.s32 v1, v4;
	_ =	sdelay $0x1  }
0x3e: {  	v3 =	vadd.s32 v1, v3;
	_ =	sdelay $0x2  }
0x3f: {  	[tilespmem:s25], [sflag:$0x1] =	stream.indirect_vreg.gather [hbm4b:s1+s3], $0x80, v4, vm0, $0xb8;
	[tilespmem:$0x10200] =	vst v63  }
0x40: {  	_ = 	snop  }
0x41: {  	[tilespmem:s26], [sflag:$0x1] =	stream.indirect_vreg.gather [hbm4b:s1+s3], $0x80, v3, vm0, $0xb8;
	[tilespmem:$0x10200] =	vst v63  }
0x42: {  	v3 =	vld [tilespmem:$0x40];
	_ =	sdelay $0x4  }
0x43: {  	v36 =	vshll.u32 v3, $0x1  }
0x44: {  	v3 =	vand.u32 $0x7, v3;
	v4 =	vand.u32 $0xFFFFFFF0, v36  }
0x45: {  	v3 =	vor.u32 v3, v4  }
0x46: {  	v4 =	vperm.xlane v3, v0;
	_ =	sdelay $0x1  }
0x47: {  	v3 =	vperm.xlane v3, v2;
	v4 =	vadd.s32 v1, v4;
	_ =	sdelay $0x1  }
0x48: {  	v3 =	vadd.s32 v1, v3;
	_ =	sdelay $0x2  }
0x49: {  	[tilespmem:s28], [sflag:$0x1] =	stream.indirect_vreg.gather [hbm4b:s1+s3], $0x80, v4, vm0, $0xb8;
	[tilespmem:$0x10200] =	vst v63  }
0x4a: {  	_ = 	snop  }
0x4b: {  	[tilespmem:s29], [sflag:$0x1] =	stream.indirect_vreg.gather [hbm4b:s1+s3], $0x80, v3, vm0, $0xb8;
	[tilespmem:$0x10200] =	vst v63  }
0x4c: {  	v3 =	vld [tilespmem:$0x50];
	_ =	sdelay $0x4  }
0x4d: {  	v37 =	vshll.u32 v3, $0x1  }
0x4e: {  	v3 =	vand.u32 $0x7, v3;
	v4 =	vand.u32 $0xFFFFFFF0, v37  }
0x4f: {  	v3 =	vor.u32 v3, v4  }
0x50: {  	v4 =	vperm.xlane v3, v0;
	_ =	sdelay $0x1  }
0x51: {  	v3 =	vperm.xlane v3, v2;
	v4 =	vadd.s32 v1, v4;
	_ =	sdelay $0x1  }
0x52: {  	v3 =	vadd.s32 v1, v3;
	_ =	sdelay $0x2  }
0x53: {  	[tilespmem:s30], [sflag:$0x1] =	stream.indirect_vreg.gather [hbm4b:s1+s3], $0x80, v4, vm0, $0xb8;
	[tilespmem:$0x10200] =	vst v63  }
0x54: {  	_ = 	snop  }
0x55: {  	[tilespmem:s31], [sflag:$0x1] =	stream.indirect_vreg.gather [hbm4b:s1+s3], $0x80, v3, vm0, $0xb8;
	[tilespmem:$0x10200] =	vst v63  }
0x56: {  	v3 =	vld [tilespmem:$0x60];
	_ =	sdelay $0x4  }
0x57: {  	v38 =	vshll.u32 v3, $0x1  }
0x58: {  	v3 =	vand.u32 $0x7, v3;
	v4 =	vand.u32 $0xFFFFFFF0, v38  }
0x59: {  	v3 =	vor.u32 v3, v4  }
0x5a: {  	v4 =	vperm.xlane v3, v0;
	_ =	sdelay $0x1  }
0x5b: {  	v3 =	vperm.xlane v3, v2;
	v4 =	vadd.s32 v1, v4;
	_ =	sdelay $0x1  }
0x5c: {  	v3 =	vadd.s32 v1, v3;
	_ =	sdelay $0x2  }
0x5d: {  	[tilespmem:s2], [sflag:$0x1] =	stream.indirect_vreg.gather [hbm4b:s1+s3], $0x80, v4, vm0, $0xb8;
	[tilespmem:$0x10200] =	vst v63  }
0x5e: {  	_ = 	snop  }
0x5f: {  	[tilespmem:s4], [sflag:$0x1] =	stream.indirect_vreg.gather [hbm4b:s1+s3], $0x80, v3, vm0, $0xb8;
	[tilespmem:$0x10200] =	vst v63  }
0x60: {  	v3 =	vld [tilespmem:$0x70];
	_ =	sdelay $0x4  }
0x61: {  	v39 =	vshll.u32 v3, $0x1  }
0x62: {  	v3 =	vand.u32 $0x7, v3;
	v4 =	vand.u32 $0xFFFFFFF0, v39  }
0x63: {  	v3 =	vor.u32 v3, v4  }
0x64: {  	v4 =	vperm.xlane v3, v0;
	_ =	sdelay $0x1  }
0x65: {  	v3 =	vperm.xlane v3, v2;
	v4 =	vadd.s32 v1, v4;
	_ =	sdelay $0x1  }
0x66: {  	v3 =	vadd.s32 v1, v3;
	_ =	sdelay $0x2  }
0x67: {  	[tilespmem:s8], [sflag:$0x1] =	stream.indirect_vreg.gather [hbm4b:s1+s3], $0x80, v4, vm0, $0xb8;
	[tilespmem:$0x10200] =	vst v63  }
0x68: {  	s0 =	simm.s32 $0x1  }
0x69: {  	[tilespmem:s9], [sflag:$0x1] =	stream.indirect_vreg.gather [hbm4b:s1+s3], $0x80, v3, vm0, $0xb8;
	[tilespmem:$0x10200] =	vst v63  }
0x6a: {  	_ =	swait.ge [sflag:s0], $0x8000  }
0x6b: {  	[sflag:s0] =	ssyncset.done $0x0  }
0x6c: {  	[sflag:s0] =	ssyncadd.s32 $0xFFFF8000  }
0x6d: {  	v3 =	vld [tilespmem:$0x80];
	_ =	sdelay $0x4  }
0x6e: {  	v40 =	vshll.u32 v3, $0x1  }
0x6f: {  	v3 =	vand.u32 $0x7, v3;
	v4 =	vand.u32 $0xFFFFFFF0, v40  }
0x70: {  	v3 =	vor.u32 v3, v4  }
0x71: {  	v4 =	vperm.xlane v3, v0;
	_ =	sdelay $0x1  }
0x72: {  	v3 =	vperm.xlane v3, v2;
	v4 =	vadd.s32 v1, v4;
	_ =	sdelay $0x1  }
0x73: {  	v3 =	vadd.s32 v1, v3;
	_ =	sdelay $0x2  }
0x74: {  	[tilespmem:s23], [sflag:$0x2] =	stream.indirect_vreg.gather [hbm4b:s1+s3], $0x80, v4, vm0, $0xb8;
	[tilespmem:$0x10200] =	vst v63  }
0x75: {  	_ = 	snop  }
0x76: {  	[tilespmem:s10], [sflag:$0x2] =	stream.indirect_vreg.gather [hbm4b:s1+s3], $0x80, v3, vm0, $0xb8;
	[tilespmem:$0x10200] =	vst v63  }
0x77: {  	v3 =	vld [tilespmem:$0x90];
	_ =	sdelay $0x4  }
0x78: {  	v41 =	vshll.u32 v3, $0x1  }
0x79: {  	v3 =	vand.u32 $0x7, v3;
	v4 =	vand.u32 $0xFFFFFFF0, v41  }
0x7a: {  	v3 =	vor.u32 v3, v4  }
0x7b: {  	v4 =	vperm.xlane v3, v0;
	_ =	sdelay $0x1  }
0x7c: {  	v3 =	vperm.xlane v3, v2;
	v4 =	vadd.s32 v1, v4;
	_ =	sdelay $0x1  }
0x7d: {  	v3 =	vadd.s32 v1, v3;
	_ =	sdelay $0x2  }
0x7e: {  	[tilespmem:s11], [sflag:$0x2] =	stream.indirect_vreg.gather [hbm4b:s1+s3], $0x80, v4, vm0, $0xb8;
	[tilespmem:$0x10200] =	vst v63  }
0x7f: {  	s7 =	simm.s32 $0x9A00  }
0x80: {  	[tilespmem:s7], [sflag:$0x2] =	stream.indirect_vreg.gather [hbm4b:s1+s3], $0x80, v3, vm0, $0xb8;
	[tilespmem:$0x10200] =	vst v63  }
0x81: {  	v3 =	vld [tilespmem:$0xA0];
	_ =	sdelay $0x4  }
0x82: {  	v42 =	vshll.u32 v3, $0x1  }
0x83: {  	v3 =	vand.u32 $0x7, v3;
	v4 =	vand.u32 $0xFFFFFFF0, v42  }
0x84: {  	v3 =	vor.u32 v3, v4  }
0x85: {  	v4 =	vperm.xlane v3, v0;
	_ =	sdelay $0x1  }
0x86: {  	v3 =	vperm.xlane v3, v2;
	v4 =	vadd.s32 v1, v4;
	_ =	sdelay $0x1  }
0x87: {  	v3 =	vadd.s32 v1, v3;
	_ =	sdelay $0x2  }
0x88: {  	[tilespmem:s13], [sflag:$0x2] =	stream.indirect_vreg.gather [hbm4b:s1+s3], $0x80, v4, vm0, $0xb8;
	[tilespmem:$0x10200] =	vst v63  }
0x89: {  	_ = 	snop  }
0x8a: {  	[tilespmem:s14], [sflag:$0x2] =	stream.indirect_vreg.gather [hbm4b:s1+s3], $0x80, v3, vm0, $0xb8;
	[tilespmem:$0x10200] =	vst v63  }
0x8b: {  	v3 =	vld [tilespmem:$0xB0];
	_ =	sdelay $0x4  }
0x8c: {  	v43 =	vshll.u32 v3, $0x1  }
0x8d: {  	v3 =	vand.u32 $0x7, v3;
	v4 =	vand.u32 $0xFFFFFFF0, v43  }
0x8e: {  	v3 =	vor.u32 v3, v4  }
0x8f: {  	v4 =	vperm.xlane v3, v0;
	_ =	sdelay $0x1  }
0x90: {  	v3 =	vperm.xlane v3, v2;
	v4 =	vadd.s32 v1, v4;
	_ =	sdelay $0x1  }
0x91: {  	v3 =	vadd.s32 v1, v3;
	_ =	sdelay $0x1  }
0x92: {  	s12 =	simm.s32 $0xB200  }
0x93: {  	[tilespmem:s12], [sflag:$0x2] =	stream.indirect_vreg.gather [hbm4b:s1+s3], $0x80, v4, vm0, $0xb8;
	[tilespmem:$0x10200] =	vst v63  }
0x94: {  	s7 =	simm.s32 $0xBA00  }
0x95: {  	[tilespmem:s7], [sflag:$0x2] =	stream.indirect_vreg.gather [hbm4b:s1+s3], $0x80, v3, vm0, $0xb8;
	[tilespmem:$0x10200] =	vst v63  }
0x96: {  	v3 =	vld [tilespmem:$0xC0];
	_ =	sdelay $0x4  }
0x97: {  	v44 =	vshll.u32 v3, $0x1  }
0x98: {  	v3 =	vand.u32 $0x7, v3;
	v4 =	vand.u32 $0xFFFFFFF0, v44  }
0x99: {  	v3 =	vor.u32 v3, v4  }
0x9a: {  	v4 =	vperm.xlane v3, v0;
	_ =	sdelay $0x1  }
0x9b: {  	v3 =	vperm.xlane v3, v2;
	v4 =	vadd.s32 v1, v4;
	_ =	sdelay $0x1  }
0x9c: {  	v3 =	vadd.s32 v1, v3;
	_ =	sdelay $0x2  }
0x9d: {  	[tilespmem:s24], [sflag:$0x2] =	stream.indirect_vreg.gather [hbm4b:s1+s3], $0x80, v4, vm0, $0xb8;
	[tilespmem:$0x10200] =	vst v63  }
0x9e: {  	s12 =	simm.s32 $0xCA00  }
0x9f: {  	[tilespmem:s12], [sflag:$0x2] =	stream.indirect_vreg.gather [hbm4b:s1+s3], $0x80, v3, vm0, $0xb8;
	[tilespmem:$0x10200] =	vst v63  }
0xa0: {  	v3 =	vld [tilespmem:$0xD0];
	_ =	sdelay $0x4  }
0xa1: {  	v45 =	vshll.u32 v3, $0x1  }
0xa2: {  	v3 =	vand.u32 $0x7, v3;
	v4 =	vand.u32 $0xFFFFFFF0, v45  }
0xa3: {  	v3 =	vor.u32 v3, v4  }
0xa4: {  	v4 =	vperm.xlane v3, v0;
	_ =	sdelay $0x1  }
0xa5: {  	v3 =	vperm.xlane v3, v2;
	v4 =	vadd.s32 v1, v4;
	_ =	sdelay $0x1  }
0xa6: {  	v3 =	vadd.s32 v1, v3;
	_ =	sdelay $0x1  }
0xa7: {  	s12 =	simm.s32 $0xD200  }
0xa8: {  	[tilespmem:s12], [sflag:$0x2] =	stream.indirect_vreg.gather [hbm4b:s1+s3], $0x80, v4, vm0, $0xb8;
	[tilespmem:$0x10200] =	vst v63  }
0xa9: {  	s12 =	simm.s32 $0xDA00  }
0xaa: {  	[tilespmem:s12], [sflag:$0x2] =	stream.indirect_vreg.gather [hbm4b:s1+s3], $0x80, v3, vm0, $0xb8;
	[tilespmem:$0x10200] =	vst v63  }
0xab: {  	v3 =	vld [tilespmem:$0xE0];
	_ =	sdelay $0x4  }
0xac: {  	v46 =	vshll.u32 v3, $0x1  }
0xad: {  	v3 =	vand.u32 $0x7, v3;
	v4 =	vand.u32 $0xFFFFFFF0, v46  }
0xae: {  	v3 =	vor.u32 v3, v4  }
0xaf: {  	v4 =	vperm.xlane v3, v0;
	_ =	sdelay $0x1  }
0xb0: {  	v3 =	vperm.xlane v3, v2;
	v4 =	vadd.s32 v1, v4;
	_ =	sdelay $0x1  }
0xb1: {  	v3 =	vadd.s32 v1, v3;
	_ =	sdelay $0x1  }
0xb2: {  	s12 =	simm.s32 $0xE200  }
0xb3: {  	[tilespmem:s12], [sflag:$0x2] =	stream.indirect_vreg.gather [hbm4b:s1+s3], $0x80, v4, vm0, $0xb8;
	[tilespmem:$0x10200] =	vst v63  }
0xb4: {  	s12 =	simm.s32 $0xEA00  }
0xb5: {  	[tilespmem:s12], [sflag:$0x2] =	stream.indirect_vreg.gather [hbm4b:s1+s3], $0x80, v3, vm0, $0xb8;
	[tilespmem:$0x10200] =	vst v63  }
0xb6: {  	v3 =	vld [tilespmem:$0xF0];
	_ =	sdelay $0x4  }
0xb7: {  	v47 =	vshll.u32 v3, $0x1  }
0xb8: {  	v3 =	vand.u32 $0x7, v3;
	v4 =	vand.u32 $0xFFFFFFF0, v47  }
0xb9: {  	v3 =	vor.u32 v3, v4  }
0xba: {  	v4 =	vperm.xlane v3, v0;
	_ =	sdelay $0x1  }
0xbb: {  	v3 =	vperm.xlane v3, v2;
	v4 =	vadd.s32 v1, v4;
	_ =	sdelay $0x1  }
0xbc: {  	v3 =	vadd.s32 v1, v3;
	_ =	sdelay $0x1  }
0xbd: {  	s12 =	simm.s32 $0xF200  }
0xbe: {  	[tilespmem:s12], [sflag:$0x2] =	stream.indirect_vreg.gather [hbm4b:s1+s3], $0x80, v4, vm0, $0xb8;
	[tilespmem:$0x10200] =	vst v63  }
0xbf: {  	s12 =	simm.s32 $0xFA00  }
0xc0: {  	[tilespmem:s12], [sflag:$0x2] =	stream.indirect_vreg.gather [hbm4b:s1+s3], $0x80, v3, vm0, $0xb8;
	[tilespmem:$0x10200] =	vst v63  }
0xc1: {  	s12 =	rddreg [dreg:$0x8]  }
0xc2: {  	[hbm4b:s12+s3] =	stream.linear.scatter [tilespmem:s15], [sflag:$0x3], $0x8000, $0x38;
	[tilespmem:$0x10200] =	vst v63  }
0xc3: {  	_ =	swait.ge [sflag:s6], $0x8000  }
0xc4: {  	[sflag:s6] =	ssyncset.done $0x0  }
0xc5: {  	[sflag:s6] =	ssyncadd.s32 $0xFFFF8000  }
0xc6: {  	_ =	swait.ge [sflag:s16], $0x8000  }
0xc7: {  	[sflag:s16] =	ssyncset.done $0x0  }
0xc8: {  	[sflag:s16] =	ssyncadd.s32 $0xFFFF8000  }
0xc9: {  	v3 =	vld [tilespmem:$0x100];
	_ =	sdelay $0x4  }
0xca: {  	v48 =	vshll.u32 v3, $0x1  }
0xcb: {  	v3 =	vand.u32 $0x7, v3;
	v4 =	vand.u32 $0xFFFFFFF0, v48  }
0xcc: {  	v3 =	vor.u32 v3, v4  }
0xcd: {  	v4 =	vperm.xlane v3, v0;
	_ =	sdelay $0x1  }
0xce: {  	v3 =	vperm.xlane v3, v2;
	v4 =	vadd.s32 v1, v4;
	_ =	sdelay $0x1  }
0xcf: {  	v3 =	vadd.s32 v1, v3;
	_ =	sdelay $0x2  }
0xd0: {  	[tilespmem:s15], [sflag:$0x1] =	stream.indirect_vreg.gather [hbm4b:s1+s3], $0x80, v4, vm0, $0xb8;
	[tilespmem:$0x10200] =	vst v63  }
0xd1: {  	_ = 	snop  }
0xd2: {  	[tilespmem:s18], [sflag:$0x1] =	stream.indirect_vreg.gather [hbm4b:s1+s3], $0x80, v3, vm0, $0xb8;
	[tilespmem:$0x10200] =	vst v63  }
0xd3: {  	v3 =	vld [tilespmem:$0x110];
	_ =	sdelay $0x4  }
0xd4: {  	v49 =	vshll.u32 v3, $0x1  }
0xd5: {  	v3 =	vand.u32 $0x7, v3;
	v4 =	vand.u32 $0xFFFFFFF0, v49  }
0xd6: {  	v3 =	vor.u32 v3, v4  }
0xd7: {  	v4 =	vperm.xlane v3, v0;
	_ =	sdelay $0x1  }
0xd8: {  	v3 =	vperm.xlane v3, v2;
	v4 =	vadd.s32 v1, v4;
	_ =	sdelay $0x1  }
0xd9: {  	v3 =	vadd.s32 v1, v3;
	_ =	sdelay $0x2  }
0xda: {  	[tilespmem:s19], [sflag:$0x1] =	stream.indirect_vreg.gather [hbm4b:s1+s3], $0x80, v4, vm0, $0xb8;
	[tilespmem:$0x10200] =	vst v63  }
0xdb: {  	_ = 	snop  }
0xdc: {  	[tilespmem:s20], [sflag:$0x1] =	stream.indirect_vreg.gather [hbm4b:s1+s3], $0x80, v3, vm0, $0xb8;
	[tilespmem:$0x10200] =	vst v63  }
0xdd: {  	v3 =	vld [tilespmem:$0x120];
	_ =	sdelay $0x4  }
0xde: {  	v50 =	vshll.u32 v3, $0x1  }
0xdf: {  	v3 =	vand.u32 $0x7, v3;
	v4 =	vand.u32 $0xFFFFFFF0, v50  }
0xe0: {  	v3 =	vor.u32 v3, v4  }
0xe1: {  	v4 =	vperm.xlane v3, v0;
	_ =	sdelay $0x1  }
0xe2: {  	v3 =	vperm.xlane v3, v2;
	v4 =	vadd.s32 v1, v4;
	_ =	sdelay $0x1  }
0xe3: {  	v3 =	vadd.s32 v1, v3;
	_ =	sdelay $0x2  }
0xe4: {  	[tilespmem:s21], [sflag:$0x1] =	stream.indirect_vreg.gather [hbm4b:s1+s3], $0x80, v4, vm0, $0xb8;
	[tilespmem:$0x10200] =	vst v63  }
0xe5: {  	_ = 	snop  }
0xe6: {  	[tilespmem:s22], [sflag:$0x1] =	stream.indirect_vreg.gather [hbm4b:s1+s3], $0x80, v3, vm0, $0xb8;
	[tilespmem:$0x10200] =	vst v63  }
0xe7: {  	v3 =	vld [tilespmem:$0x130];
	_ =	sdelay $0x4  }
0xe8: {  	v51 =	vshll.u32 v3, $0x1  }
0xe9: {  	v3 =	vand.u32 $0x7, v3;
	v4 =	vand.u32 $0xFFFFFFF0, v51  }
0xea: {  	v3 =	vor.u32 v3, v4  }
0xeb: {  	v4 =	vperm.xlane v3, v0;
	_ =	sdelay $0x1  }
0xec: {  	v3 =	vperm.xlane v3, v2;
	v4 =	vadd.s32 v1, v4;
	_ =	sdelay $0x1  }
0xed: {  	v3 =	vadd.s32 v1, v3;
	_ =	sdelay $0x2  }
0xee: {  	[tilespmem:s25], [sflag:$0x1] =	stream.indirect_vreg.gather [hbm4b:s1+s3], $0x80, v4, vm0, $0xb8;
	[tilespmem:$0x10200] =	vst v63  }
0xef: {  	_ = 	snop  }
0xf0: {  	[tilespmem:s26], [sflag:$0x1] =	stream.indirect_vreg.gather [hbm4b:s1+s3], $0x80, v3, vm0, $0xb8;
	[tilespmem:$0x10200] =	vst v63  }
0xf1: {  	v3 =	vld [tilespmem:$0x140];
	_ =	sdelay $0x4  }
0xf2: {  	v52 =	vshll.u32 v3, $0x1  }
0xf3: {  	v3 =	vand.u32 $0x7, v3;
	v4 =	vand.u32 $0xFFFFFFF0, v52  }
0xf4: {  	v3 =	vor.u32 v3, v4  }
0xf5: {  	v4 =	vperm.xlane v3, v0;
	_ =	sdelay $0x1  }
0xf6: {  	v3 =	vperm.xlane v3, v2;
	v4 =	vadd.s32 v1, v4;
	_ =	sdelay $0x1  }
0xf7: {  	v3 =	vadd.s32 v1, v3;
	_ =	sdelay $0x2  }
0xf8: {  	[tilespmem:s28], [sflag:$0x1] =	stream.indirect_vreg.gather [hbm4b:s1+s3], $0x80, v4, vm0, $0xb8;
	[tilespmem:$0x10200] =	vst v63  }
0xf9: {  	_ = 	snop  }
0xfa: {  	[tilespmem:s29], [sflag:$0x1] =	stream.indirect_vreg.gather [hbm4b:s1+s3], $0x80, v3, vm0, $0xb8;
	[tilespmem:$0x10200] =	vst v63  }
0xfb: {  	v3 =	vld [tilespmem:$0x150];
	_ =	sdelay $0x4  }
0xfc: {  	v53 =	vshll.u32 v3, $0x1  }
0xfd: {  	v3 =	vand.u32 $0x7, v3;
	v4 =	vand.u32 $0xFFFFFFF0, v53  }
0xfe: {  	v3 =	vor.u32 v3, v4  }
0xff: {  	v4 =	vperm.xlane v3, v0;
	_ =	sdelay $0x1  }
0x100: {  	v3 =	vperm.xlane v3, v2;
	v4 =	vadd.s32 v1, v4;
	_ =	sdelay $0x1  }
0x101: {  	v3 =	vadd.s32 v1, v3;
	_ =	sdelay $0x2  }
0x102: {  	[tilespmem:s30], [sflag:$0x1] =	stream.indirect_vreg.gather [hbm4b:s1+s3], $0x80, v4, vm0, $0xb8;
	[tilespmem:$0x10200] =	vst v63  }
0x103: {  	_ = 	snop  }
0x104: {  	[tilespmem:s31], [sflag:$0x1] =	stream.indirect_vreg.gather [hbm4b:s1+s3], $0x80, v3, vm0, $0xb8;
	[tilespmem:$0x10200] =	vst v63  }
0x105: {  	v3 =	vld [tilespmem:$0x160];
	_ =	sdelay $0x4  }
0x106: {  	v54 =	vshll.u32 v3, $0x1  }
0x107: {  	v3 =	vand.u32 $0x7, v3;
	v4 =	vand.u32 $0xFFFFFFF0, v54  }
0x108: {  	v3 =	vor.u32 v3, v4  }
0x109: {  	v4 =	vperm.xlane v3, v0;
	_ =	sdelay $0x1  }
0x10a: {  	v3 =	vperm.xlane v3, v2;
	v4 =	vadd.s32 v1, v4;
	_ =	sdelay $0x1  }
0x10b: {  	v3 =	vadd.s32 v1, v3;
	_ =	sdelay $0x2  }
0x10c: {  	[tilespmem:s2], [sflag:$0x1] =	stream.indirect_vreg.gather [hbm4b:s1+s3], $0x80, v4, vm0, $0xb8;
	[tilespmem:$0x10200] =	vst v63  }
0x10d: {  	_ = 	snop  }
0x10e: {  	[tilespmem:s4], [sflag:$0x1] =	stream.indirect_vreg.gather [hbm4b:s1+s3], $0x80, v3, vm0, $0xb8;
	[tilespmem:$0x10200] =	vst v63  }
0x10f: {  	v3 =	vld [tilespmem:$0x170];
	_ =	sdelay $0x4  }
0x110: {  	v55 =	vshll.u32 v3, $0x1  }
0x111: {  	v3 =	vand.u32 $0x7, v3;
	v4 =	vand.u32 $0xFFFFFFF0, v55  }
0x112: {  	v3 =	vor.u32 v3, v4  }
0x113: {  	v4 =	vperm.xlane v3, v0;
	_ =	sdelay $0x1  }
0x114: {  	v3 =	vperm.xlane v3, v2;
	v4 =	vadd.s32 v1, v4;
	_ =	sdelay $0x1  }
0x115: {  	v3 =	vadd.s32 v1, v3;
	_ =	sdelay $0x2  }
0x116: {  	[tilespmem:s8], [sflag:$0x1] =	stream.indirect_vreg.gather [hbm4b:s1+s3], $0x80, v4, vm0, $0xb8;
	[tilespmem:$0x10200] =	vst v63  }
0x117: {  	_ = 	snop  }
0x118: {  	[tilespmem:s9], [sflag:$0x1] =	stream.indirect_vreg.gather [hbm4b:s1+s3], $0x80, v3, vm0, $0xb8;
	[tilespmem:$0x10200] =	vst v63  }
0x119: {  	s18 =	rddreg [dreg:$0x5]  }
0x11a: {  	[hbm4b:s18+s3] =	stream.linear.scatter [tilespmem:s23], [sflag:$0x4], $0x8000, $0x38;
	[tilespmem:$0x10200] =	vst v63  }
0x11b: {  	_ =	swait.ge [sflag:s0], $0x8000  }
0x11c: {  	[sflag:s0] =	ssyncset.done $0x0  }
0x11d: {  	[sflag:s0] =	ssyncadd.s32 $0xFFFF8000  }
0x11e: {  	_ =	swait.ge [sflag:s17], $0x8000  }
0x11f: {  	[sflag:s17] =	ssyncset.done $0x0  }
0x120: {  	[sflag:s17] =	ssyncadd.s32 $0xFFFF8000  }
0x121: {  	v3 =	vld [tilespmem:$0x180];
	_ =	sdelay $0x4  }
0x122: {  	v56 =	vshll.u32 v3, $0x1  }
0x123: {  	v3 =	vand.u32 $0x7, v3;
	v4 =	vand.u32 $0xFFFFFFF0, v56  }
0x124: {  	v3 =	vor.u32 v3, v4  }
0x125: {  	v4 =	vperm.xlane v3, v0;
	_ =	sdelay $0x1  }
0x126: {  	v3 =	vperm.xlane v3, v2;
	v4 =	vadd.s32 v1, v4;
	_ =	sdelay $0x1  }
0x127: {  	v3 =	vadd.s32 v1, v3;
	_ =	sdelay $0x2  }
0x128: {  	[tilespmem:s23], [sflag:$0x2] =	stream.indirect_vreg.gather [hbm4b:s1+s3], $0x80, v4, vm0, $0xb8;
	[tilespmem:$0x10200] =	vst v63  }
0x129: {  	_ = 	snop  }
0x12a: {  	[tilespmem:s10], [sflag:$0x2] =	stream.indirect_vreg.gather [hbm4b:s1+s3], $0x80, v3, vm0, $0xb8;
	[tilespmem:$0x10200] =	vst v63  }
0x12b: {  	v3 =	vld [tilespmem:$0x190];
	_ =	sdelay $0x4  }
0x12c: {  	v57 =	vshll.u32 v3, $0x1  }
0x12d: {  	v3 =	vand.u32 $0x7, v3;
	v4 =	vand.u32 $0xFFFFFFF0, v57  }
0x12e: {  	v3 =	vor.u32 v3, v4  }
0x12f: {  	v4 =	vperm.xlane v3, v0;
	_ =	sdelay $0x1  }
0x130: {  	v3 =	vperm.xlane v3, v2;
	v4 =	vadd.s32 v1, v4;
	_ =	sdelay $0x1  }
0x131: {  	v3 =	vadd.s32 v1, v3;
	_ =	sdelay $0x2  }
0x132: {  	[tilespmem:s11], [sflag:$0x2] =	stream.indirect_vreg.gather [hbm4b:s1+s3], $0x80, v4, vm0, $0xb8;
	[tilespmem:$0x10200] =	vst v63  }
0x133: {  	s18 =	simm.s32 $0x9A00  }
0x134: {  	[tilespmem:s18], [sflag:$0x2] =	stream.indirect_vreg.gather [hbm4b:s1+s3], $0x80, v3, vm0, $0xb8;
	[tilespmem:$0x10200] =	vst v63  }
0x135: {  	v3 =	vld [tilespmem:$0x1A0];
	_ =	sdelay $0x4  }
0x136: {  	v58 =	vshll.u32 v3, $0x1  }
0x137: {  	v3 =	vand.u32 $0x7, v3;
	v4 =	vand.u32 $0xFFFFFFF0, v58  }
0x138: {  	v3 =	vor.u32 v3, v4  }
0x139: {  	v4 =	vperm.xlane v3, v0;
	_ =	sdelay $0x1  }
0x13a: {  	v3 =	vperm.xlane v3, v2;
	v4 =	vadd.s32 v1, v4;
	_ =	sdelay $0x1  }
0x13b: {  	v3 =	vadd.s32 v1, v3;
	_ =	sdelay $0x2  }
0x13c: {  	[tilespmem:s13], [sflag:$0x2] =	stream.indirect_vreg.gather [hbm4b:s1+s3], $0x80, v4, vm0, $0xb8;
	[tilespmem:$0x10200] =	vst v63  }
0x13d: {  	_ = 	snop  }
0x13e: {  	[tilespmem:s14], [sflag:$0x2] =	stream.indirect_vreg.gather [hbm4b:s1+s3], $0x80, v3, vm0, $0xb8;
	[tilespmem:$0x10200] =	vst v63  }
0x13f: {  	v3 =	vld [tilespmem:$0x1B0];
	_ =	sdelay $0x4  }
0x140: {  	v59 =	vshll.u32 v3, $0x1  }
0x141: {  	v3 =	vand.u32 $0x7, v3;
	v4 =	vand.u32 $0xFFFFFFF0, v59  }
0x142: {  	v3 =	vor.u32 v3, v4  }
0x143: {  	v4 =	vperm.xlane v3, v0;
	_ =	sdelay $0x1  }
0x144: {  	v3 =	vperm.xlane v3, v2;
	v4 =	vadd.s32 v1, v4;
	_ =	sdelay $0x1  }
0x145: {  	v3 =	vadd.s32 v1, v3;
	_ =	sdelay $0x1  }
0x146: {  	s18 =	simm.s32 $0xB200  }
0x147: {  	[tilespmem:s18], [sflag:$0x2] =	stream.indirect_vreg.gather [hbm4b:s1+s3], $0x80, v4, vm0, $0xb8;
	[tilespmem:$0x10200] =	vst v63  }
0x148: {  	_ = 	snop  }
0x149: {  	[tilespmem:s7], [sflag:$0x2] =	stream.indirect_vreg.gather [hbm4b:s1+s3], $0x80, v3, vm0, $0xb8;
	[tilespmem:$0x10200] =	vst v63  }
0x14a: {  	v3 =	vld [tilespmem:$0x1C0];
	_ =	sdelay $0x4  }
0x14b: {  	v60 =	vshll.u32 v3, $0x1  }
0x14c: {  	v3 =	vand.u32 $0x7, v3;
	v4 =	vand.u32 $0xFFFFFFF0, v60  }
0x14d: {  	v3 =	vor.u32 v3, v4  }
0x14e: {  	v4 =	vperm.xlane v3, v0;
	_ =	sdelay $0x1  }
0x14f: {  	v3 =	vperm.xlane v3, v2;
	v4 =	vadd.s32 v1, v4;
	_ =	sdelay $0x1  }
0x150: {  	v3 =	vadd.s32 v1, v3;
	_ =	sdelay $0x2  }
0x151: {  	[tilespmem:s24], [sflag:$0x2] =	stream.indirect_vreg.gather [hbm4b:s1+s3], $0x80, v4, vm0, $0xb8;
	[tilespmem:$0x10200] =	vst v63  }
0x152: {  	s7 =	simm.s32 $0xCA00  }
0x153: {  	[tilespmem:s7], [sflag:$0x2] =	stream.indirect_vreg.gather [hbm4b:s1+s3], $0x80, v3, vm0, $0xb8;
	[tilespmem:$0x10200] =	vst v63  }
0x154: {  	v3 =	vld [tilespmem:$0x1D0];
	_ =	sdelay $0x4  }
0x155: {  	v61 =	vshll.u32 v3, $0x1  }
0x156: {  	v3 =	vand.u32 $0x7, v3;
	v4 =	vand.u32 $0xFFFFFFF0, v61  }
0x157: {  	v3 =	vor.u32 v3, v4  }
0x158: {  	v4 =	vperm.xlane v3, v0;
	_ =	sdelay $0x1  }
0x159: {  	v3 =	vperm.xlane v3, v2;
	v4 =	vadd.s32 v1, v4;
	_ =	sdelay $0x1  }
0x15a: {  	v3 =	vadd.s32 v1, v3;
	_ =	sdelay $0x1  }
0x15b: {  	s18 =	simm.s32 $0xD200  }
0x15c: {  	[tilespmem:s18], [sflag:$0x2] =	stream.indirect_vreg.gather [hbm4b:s1+s3], $0x80, v4, vm0, $0xb8;
	[tilespmem:$0x10200] =	vst v63  }
0x15d: {  	s7 =	simm.s32 $0xDA00  }
0x15e: {  	[tilespmem:s7], [sflag:$0x2] =	stream.indirect_vreg.gather [hbm4b:s1+s3], $0x80, v3, vm0, $0xb8;
	[tilespmem:$0x10200] =	vst v63  }
0x15f: {  	v3 =	vld [tilespmem:$0x1E0];
	_ =	sdelay $0x4  }
0x160: {  	v62 =	vshll.u32 v3, $0x1  }
0x161: {  	v3 =	vand.u32 $0x7, v3;
	v4 =	vand.u32 $0xFFFFFFF0, v62  }
0x162: {  	v3 =	vor.u32 v3, v4  }
0x163: {  	v4 =	vperm.xlane v3, v0;
	_ =	sdelay $0x1  }
0x164: {  	v3 =	vperm.xlane v3, v2;
	v4 =	vadd.s32 v1, v4;
	_ =	sdelay $0x1  }
0x165: {  	v3 =	vadd.s32 v1, v3;
	_ =	sdelay $0x1  }
0x166: {  	s18 =	simm.s32 $0xE200  }
0x167: {  	[tilespmem:s18], [sflag:$0x2] =	stream.indirect_vreg.gather [hbm4b:s1+s3], $0x80, v4, vm0, $0xb8;
	[tilespmem:$0x10200] =	vst v63  }
0x168: {  	s7 =	simm.s32 $0xEA00  }
0x169: {  	[tilespmem:s7], [sflag:$0x2] =	stream.indirect_vreg.gather [hbm4b:s1+s3], $0x80, v3, vm0, $0xb8;
	[tilespmem:$0x10200] =	vst v63  }
0x16a: {  	v3 =	vld [tilespmem:$0x1F0];
	_ =	sdelay $0x4  }
0x16b: {  	v63 =	vshll.u32 v3, $0x1  }
0x16c: {  	v3 =	vand.u32 $0x7, v3;
	v4 =	vand.u32 $0xFFFFFFF0, v63  }
0x16d: {  	v3 =	vor.u32 v3, v4  }
0x16e: {  	v4 =	vperm.xlane v3, v0;
	_ =	sdelay $0x1  }
0x16f: {  	v3 =	vperm.xlane v3, v2;
	v4 =	vadd.s32 v1, v4;
	_ =	sdelay $0x1  }
0x170: {  	v3 =	vadd.s32 v1, v3;
	_ =	sdelay $0x1  }
0x171: {  	s18 =	simm.s32 $0xF200  }
0x172: {  	[tilespmem:s18], [sflag:$0x2] =	stream.indirect_vreg.gather [hbm4b:s1+s3], $0x80, v4, vm0, $0xb8;
	[tilespmem:$0x10200] =	vst v63  }
0x173: {  	s7 =	simm.s32 $0xFA00  }
0x174: {  	[tilespmem:s7], [sflag:$0x2] =	stream.indirect_vreg.gather [hbm4b:s1+s3], $0x80, v3, vm0, $0xb8;
	[tilespmem:$0x10200] =	vst v63  }
0x175: {  	s12 =	simm.s32 $0x200;
	s18 =	rddreg [dreg:$0x6]  }
0x176: {  	[hbm4b:s18+s3] =	stream.linear.scatter [tilespmem:s12], [sflag:$0x3], $0x8000, $0x38;
	[tilespmem:$0x10200] =	vst v63  }
0x177: {  	_ =	swait.ge [sflag:s6], $0x8000  }
0x178: {  	[sflag:s6] =	ssyncset.done $0x0  }
0x179: {  	s12 =	rddreg [dreg:$0x7];
	[sflag:s6] =	ssyncadd.s32 $0xFFFF8000  }
0x17a: {  	[hbm4b:s12+s3] =	stream.linear.scatter [tilespmem:s23], [sflag:$0x4], $0x8000, $0x38;
	[tilespmem:$0x10200] =	vst v63  }
0x17b: {  	p0 =	sne.s32 s5, $0x1;
	_ =	swait.ge [sflag:s16], $0x8000  }
.Ltmp0:
0x17c: {  	[sflag:s16] =	ssyncset.done $0x0;
	(pc) =	sbr.rel @p0 .LBB2_1-.Ltmp0, $4  }
0x17d: {  	[sflag:s16] =	ssyncadd.s32 $0xFFFF8000  }
0x17e: {  	_ =	swait.ge [sflag:s17], $0x8000  }
0x17f: {  	[sflag:s17] =	ssyncset.done $0x0  }
0x180: {  	s5 =	sadd.s32 $0xFFFFFFFF, s5;
	[sflag:s17] =	ssyncadd.s32 $0xFFFF8000  }
0x181: {  	_ =	sfence.sel $0x180000  }
0x182: {  	[bflag:$0x0] =	sbarrier.arrive $0xFFFF  }
0x183: {  	_ =	strace $0x90000047  }
0x184: {  	s0 =	stileid.u32;
	[bflag:$0x2] =	sbarrier.arrive $0xFFFF  }
0x185: {  	p0 =	sne.s32 s0, $0x0;
	s0 =	rddreg [dreg:$0x3]  }
0x186: {  	s0 =	sadd.s32 @!p0 $0x100000, s0  }
0x187: {  	[sflag:s0] =	ssyncadd.tile.s32 @!p0 $0x1;
	_ =	shalt  }
.Lfunc_end2:
_tile_overlayer_lowered:
.L_overlay_start_2:
0x188: {  	(tag) =	ssettag $0x2  }
0x189: {  	s0 =	rddreg [dreg:$0x0];
	s2 =	stileid.u32  }
0x18a: {  	s1 =	rddreg [dreg:$0x1];
	p0 =	sne.s32 s2, $0x0  }
0x18b: {  	s3 =	rddreg [dreg:$0x2];
	[bflag:$0x3] =	sbarrier.arrive $0xFFFF;
	s2 =	simm.s32 @!p0 $0x1C05  }
0x18c: {  	[timem:s3], [sflag:s2] =	dma.local @!p0 [hbm:s0], s1  }
0x18d: {  	s0 =	simm.s32 @!p0 $0x5  }
0x18e: {  	_ =	swait.ge @!p0 [sflag:s0], s1  }
0x18f: {  	s1 =	ssub.s32 @!p0 $0x0, s1;
	[sflag:s0] =	ssyncset.done @!p0 $0x0  }
0x190: {  	[sflag:s0] =	ssyncadd.s32 @!p0 s1  }
0x191: {  	[bflag:$0x3] =	sbarrier.arrive $0xFFFF  }
0x192: {  	_ =	shalt  }

</sc_bundles>
